<compile_context>
chip_gen: v7x
topology: tpu7x:2x2x1
jax: 0.10.2.dev20260603
libtpu: 0.0.44.dev20260713+nightly
codegen_flags: <defaults>
</compile_context>

<pallas_src>
import jax
import jax.numpy as jnp
from jax import lax
from jax.experimental import pallas as pl
from jax.experimental.pallas import tpu as pltpu
from jax.experimental.pallas import tpu_sc as plsc

_N = 16384
_D = 64
_NW = 32
_COLS_PER_W = _N // _NW
_H = _COLS_PER_W // 2
_CHUNKS = _H // 16


def _sc_body(x_hbm, out_hbm, gu0, gi0, gu1, gi1, out_v, sem0, sem1):
    wid = lax.axis_index("s") * 2 + lax.axis_index("c")
    c0 = wid * _COLS_PER_W

    cp0a = pltpu.make_async_copy(x_hbm.at[0, :, pl.ds(c0, _H)], gu0, sem0)
    cp0b = pltpu.make_async_copy(x_hbm.at[1, :, pl.ds(c0, _H)], gi0, sem0)
    cp1a = pltpu.make_async_copy(x_hbm.at[0, :, pl.ds(c0 + _H, _H)], gu1, sem1)
    cp1b = pltpu.make_async_copy(x_hbm.at[1, :, pl.ds(c0 + _H, _H)], gi1, sem1)
    cp0a.start()
    cp0b.start()
    cp1a.start()
    cp1b.start()

    def make_half(a_v, b_v, out_base):
        def chunk(s, carry):
            off = s * 16
            acc = jnp.zeros((16,), jnp.float32)
            for k in range(_D):
                acc = acc + a_v[k, pl.ds(off, 16)] * b_v[k, pl.ds(off, 16)]
            out_v[pl.ds(out_base + off, 16)] = acc
            return carry
        return chunk

    cp0a.wait()
    cp0b.wait()
    lax.fori_loop(0, _CHUNKS, make_half(gu0, gi0, 0), 0)
    cp1a.wait()
    cp1b.wait()
    lax.fori_loop(0, _CHUNKS, make_half(gu1, gi1, _H), 0)
    pltpu.sync_copy(out_v, out_hbm.at[pl.ds(c0, _COLS_PER_W)])


def _sc_rowdot(x):
    mesh = plsc.VectorSubcoreMesh(core_axis_name="c", subcore_axis_name="s")
    return pl.kernel(
        _sc_body,
        mesh=mesh,
        out_type=jax.ShapeDtypeStruct((_N,), jnp.float32),
        scratch_types=[
            pltpu.VMEM((_D, _H), jnp.float32),
            pltpu.VMEM((_D, _H), jnp.float32),
            pltpu.VMEM((_D, _H), jnp.float32),
            pltpu.VMEM((_D, _H), jnp.float32),
            pltpu.VMEM((_COLS_PER_W,), jnp.float32),
            pltpu.SemaphoreType.DMA,
            pltpu.SemaphoreType.DMA,
        ],
    )(x)


def kernel(inputs):
    t = jnp.swapaxes(inputs, 1, 2)
    return _sc_rowdot(t)

# --- scband reference (transcript-rebuilt; emitter-appended) ---
"""Pipeline reference for scband-dgcfmodel-47888885350521 (READ-ONLY COPY).

The authoritative reference and input builder live on the scoring server;
editing this copy changes nothing except your own understanding.
"""

import jax, jax.numpy as jnp
import numpy as np


def setup_inputs(seed: int = 0) -> dict:
    key = jax.random.key(seed)
    inputs = jax.random.normal(key, (2, 16384, 64), dtype=jnp.float32)
    return {"inputs": inputs}


def reference(inputs):
    # Faithful translation of DGCFModel.forward:
    #   gu, gi = inputs
    #   xui = sum(squeeze(gu) * squeeze(gi), dim=1)
    gu = inputs[0]
    gi = inputs[1]
    gamma_u = jnp.squeeze(gu)
    gamma_i = jnp.squeeze(gi)
    xui = jnp.sum(gamma_u * gamma_i, axis=1)
    return xui

if __name__ == "__main__":
    import jax
    _d = setup_inputs()
    print(jax.jit(kernel)(*tuple(_d.values())))

</pallas_src>

<mosaic_0001>
#map = affine_map<(d0, d1) -> (0, 0, 0)>
#map1 = affine_map<(d0, d1) -> (0)>
module attributes {stable_mosaic.version = 14 : i64} {
  func.func @_sc_body(%arg0: i32, %arg1: i32, %arg2: memref<2x64x16384xf32, #tpu.memory_space<hbm>>, %arg3: memref<16384xf32, #tpu.memory_space<hbm>>, %arg4: memref<64x256xf32, #tpu.memory_space<vmem>>, %arg5: memref<64x256xf32, #tpu.memory_space<vmem>>, %arg6: memref<64x256xf32, #tpu.memory_space<vmem>>, %arg7: memref<64x256xf32, #tpu.memory_space<vmem>>, %arg8: memref<512xf32, #tpu.memory_space<vmem>>, %arg9: memref<!tpu.dma_semaphore, #tpu.memory_space<semaphore_mem>>, %arg10: memref<!tpu.dma_semaphore, #tpu.memory_space<semaphore_mem>>) attributes {dimension_semantics = [#tpu.dimension_semantics<core_parallel>, #tpu.dimension_semantics<subcore_parallel>], iteration_bounds = array<i64: 2, 16>, scalar_prefetch = 0 : i64, scratch_operands = 7 : i64, tpu.core_type = #tpu.core_type<sc_vector_subcore>, window_params = [{transform_indices = #map}, {transform_indices = #map1}]} {
    %mul3A = arith.constant 2 : i32
    %mul3A_0 = arith.muli %arg1, %mul3A : i32
    %add3A = arith.addi %mul3A_0, %arg0 : i32
    %mul3A_1 = arith.constant 512 : i32
    %mul3A_2 = arith.muli %add3A, %mul3A_1 : i32
    %add3A_3 = arith.constant 256 : i32
    %add3A_4 = arith.addi %mul3A_2, %add3A_3 : i32
    %add3A_5 = arith.constant 256 : i32
    %add3A_6 = arith.addi %mul3A_2, %add3A_5 : i32
    %dma_start3A = arith.constant 0 : i32
    %dma_start3A_7 = arith.constant 0 : i32
    %dma_start3A_8 = tpu.memref_slice %arg2[%dma_start3A, %dma_start3A_7, %mul3A_2] : memref<2x64x16384xf32, #tpu.memory_space<hbm>> -> memref<1x64x256xf32, #tpu.memory_space<hbm>>
    %dma_start3A_9 = tpu.memref_squeeze %dma_start3A_8 : memref<1x64x256xf32, #tpu.memory_space<hbm>> -> memref<64x256xf32, #tpu.memory_space<hbm>>
    %dma_start3A_10 = arith.constant 0 : i32
    %dma_start3A_11 = tpu.memref_slice %arg2[%dma_start3A, %dma_start3A_10, %mul3A_2] : memref<2x64x16384xf32, #tpu.memory_space<hbm>> -> memref<1x64x256xf32, #tpu.memory_space<hbm>>
    %dma_start3A_12 = tpu.memref_squeeze %dma_start3A_11 : memref<1x64x256xf32, #tpu.memory_space<hbm>> -> memref<64x256xf32, #tpu.memory_space<hbm>>
    tpu.enqueue_dma source(%dma_start3A_12 : memref<64x256xf32, #tpu.memory_space<hbm>>) target(%arg4 : memref<64x256xf32, #tpu.memory_space<vmem>>) target_semaphore(%arg9 : memref<!tpu.dma_semaphore, #tpu.memory_space<semaphore_mem>>)
    %dma_start3A_13 = arith.constant 1 : i32
    %dma_start3A_14 = arith.constant 0 : i32
    %dma_start3A_15 = tpu.memref_slice %arg2[%dma_start3A_13, %dma_start3A_14, %mul3A_2] : memref<2x64x16384xf32, #tpu.memory_space<hbm>> -> memref<1x64x256xf32, #tpu.memory_space<hbm>>
    %dma_start3A_16 = tpu.memref_squeeze %dma_start3A_15 : memref<1x64x256xf32, #tpu.memory_space<hbm>> -> memref<64x256xf32, #tpu.memory_space<hbm>>
    %dma_start3A_17 = arith.constant 0 : i32
    %dma_start3A_18 = tpu.memref_slice %arg2[%dma_start3A_13, %dma_start3A_17, %mul3A_2] : memref<2x64x16384xf32, #tpu.memory_space<hbm>> -> memref<1x64x256xf32, #tpu.memory_space<hbm>>
    %dma_start3A_19 = tpu.memref_squeeze %dma_start3A_18 : memref<1x64x256xf32, #tpu.memory_space<hbm>> -> memref<64x256xf32, #tpu.memory_space<hbm>>
    tpu.enqueue_dma source(%dma_start3A_19 : memref<64x256xf32, #tpu.memory_space<hbm>>) target(%arg5 : memref<64x256xf32, #tpu.memory_space<vmem>>) target_semaphore(%arg9 : memref<!tpu.dma_semaphore, #tpu.memory_space<semaphore_mem>>)
    %dma_start3A_20 = arith.constant 0 : i32
    %dma_start3A_21 = arith.constant 0 : i32
    %dma_start3A_22 = tpu.memref_slice %arg2[%dma_start3A_20, %dma_start3A_21, %add3A_4] : memref<2x64x16384xf32, #tpu.memory_space<hbm>> -> memref<1x64x256xf32, #tpu.memory_space<hbm>>
    %dma_start3A_23 = tpu.memref_squeeze %dma_start3A_22 : memref<1x64x256xf32, #tpu.memory_space<hbm>> -> memref<64x256xf32, #tpu.memory_space<hbm>>
    %dma_start3A_24 = arith.constant 0 : i32
    %dma_start3A_25 = tpu.memref_slice %arg2[%dma_start3A_20, %dma_start3A_24, %add3A_4] : memref<2x64x16384xf32, #tpu.memory_space<hbm>> -> memref<1x64x256xf32, #tpu.memory_space<hbm>>
    %dma_start3A_26 = tpu.memref_squeeze %dma_start3A_25 : memref<1x64x256xf32, #tpu.memory_space<hbm>> -> memref<64x256xf32, #tpu.memory_space<hbm>>
    tpu.enqueue_dma source(%dma_start3A_26 : memref<64x256xf32, #tpu.memory_space<hbm>>) target(%arg6 : memref<64x256xf32, #tpu.memory_space<vmem>>) target_semaphore(%arg10 : memref<!tpu.dma_semaphore, #tpu.memory_space<semaphore_mem>>)
    %dma_start3A_27 = arith.constant 1 : i32
    %dma_start3A_28 = arith.constant 0 : i32
    %dma_start3A_29 = tpu.memref_slice %arg2[%dma_start3A_27, %dma_start3A_28, %add3A_6] : memref<2x64x16384xf32, #tpu.memory_space<hbm>> -> memref<1x64x256xf32, #tpu.memory_space<hbm>>
    %dma_start3A_30 = tpu.memref_squeeze %dma_start3A_29 : memref<1x64x256xf32, #tpu.memory_space<hbm>> -> memref<64x256xf32, #tpu.memory_space<hbm>>
    %dma_start3A_31 = arith.constant 0 : i32
    %dma_start3A_32 = tpu.memref_slice %arg2[%dma_start3A_27, %dma_start3A_31, %add3A_6] : memref<2x64x16384xf32, #tpu.memory_space<hbm>> -> memref<1x64x256xf32, #tpu.memory_space<hbm>>
    %dma_start3A_33 = tpu.memref_squeeze %dma_start3A_32 : memref<1x64x256xf32, #tpu.memory_space<hbm>> -> memref<64x256xf32, #tpu.memory_space<hbm>>
    tpu.enqueue_dma source(%dma_start3A_33 : memref<64x256xf32, #tpu.memory_space<hbm>>) target(%arg7 : memref<64x256xf32, #tpu.memory_space<vmem>>) target_semaphore(%arg10 : memref<!tpu.dma_semaphore, #tpu.memory_space<semaphore_mem>>)
    %dma_wait3A = arith.constant 0 : i32
    %dma_wait3A_34 = arith.constant 0 : i32
    %dma_wait3A_35 = tpu.memref_slice %arg2[%dma_wait3A, %dma_wait3A_34, %mul3A_2] : memref<2x64x16384xf32, #tpu.memory_space<hbm>> -> memref<1x64x256xf32, #tpu.memory_space<hbm>>
    %dma_wait3A_36 = tpu.memref_squeeze %dma_wait3A_35 : memref<1x64x256xf32, #tpu.memory_space<hbm>> -> memref<64x256xf32, #tpu.memory_space<hbm>>
    %dma_wait3A_37 = arith.constant 0 : i32
    %dma_wait3A_38 = tpu.memref_slice %arg2[%dma_wait3A, %dma_wait3A_37, %mul3A_2] : memref<2x64x16384xf32, #tpu.memory_space<hbm>> -> memref<1x64x256xf32, #tpu.memory_space<hbm>>
    %dma_wait3A_39 = tpu.memref_squeeze %dma_wait3A_38 : memref<1x64x256xf32, #tpu.memory_space<hbm>> -> memref<64x256xf32, #tpu.memory_space<hbm>>
    tpu.wait_dma2 semaphore(%arg9 : memref<!tpu.dma_semaphore, #tpu.memory_space<semaphore_mem>>) src(%dma_wait3A_39 : memref<64x256xf32, #tpu.memory_space<hbm>>) dst(%arg4 : memref<64x256xf32, #tpu.memory_space<vmem>>)
    %dma_wait3A_40 = arith.constant 1 : i32
    %dma_wait3A_41 = arith.constant 0 : i32
    %dma_wait3A_42 = tpu.memref_slice %arg2[%dma_wait3A_40, %dma_wait3A_41, %mul3A_2] : memref<2x64x16384xf32, #tpu.memory_space<hbm>> -> memref<1x64x256xf32, #tpu.memory_space<hbm>>
    %dma_wait3A_43 = tpu.memref_squeeze %dma_wait3A_42 : memref<1x64x256xf32, #tpu.memory_space<hbm>> -> memref<64x256xf32, #tpu.memory_space<hbm>>
    %dma_wait3A_44 = arith.constant 0 : i32
    %dma_wait3A_45 = tpu.memref_slice %arg2[%dma_wait3A_40, %dma_wait3A_44, %mul3A_2] : memref<2x64x16384xf32, #tpu.memory_space<hbm>> -> memref<1x64x256xf32, #tpu.memory_space<hbm>>
    %dma_wait3A_46 = tpu.memref_squeeze %dma_wait3A_45 : memref<1x64x256xf32, #tpu.memory_space<hbm>> -> memref<64x256xf32, #tpu.memory_space<hbm>>
    tpu.wait_dma2 semaphore(%arg9 : memref<!tpu.dma_semaphore, #tpu.memory_space<semaphore_mem>>) src(%dma_wait3A_46 : memref<64x256xf32, #tpu.memory_space<hbm>>) dst(%arg5 : memref<64x256xf32, #tpu.memory_space<vmem>>)
    %scan3A = arith.constant 0 : i32
    %scan3A_47 = arith.constant 0 : i32
    %scan3A_48 = arith.constant 16 : i32
    %scan3A_49 = arith.addi %scan3A_47, %scan3A_48 : i32
    %scan3A_50 = arith.constant 1 : i32
    scf.for %scan3A_72 = %scan3A_47 to %scan3A_49 step %scan3A_50  : i32 {
      %mul3A_73 = arith.constant 16 : i32
      %mul3A_74 = arith.muli %scan3A_72, %mul3A_73 : i32
      %broadcast_in_dim3A = arith.constant 0.000000e+00 : f32
      %broadcast_in_dim3A_75 = vector.broadcast %broadcast_in_dim3A : f32 to vector<16xf32>
      %get3A = arith.constant 0 : i32
      %get3A_76 = arith.index_cast %get3A : i32 to index
      %get3A_77 = arith.index_cast %mul3A_74 : i32 to index
      %get3A_78 = tpu.vector_load %arg4[%get3A_76, %get3A_77] {strides = array<i32>} : memref<64x256xf32, #tpu.memory_space<vmem>>, vector<1x16xf32>,
      %get3A_79 = vector.shape_cast %get3A_78 : vector<1x16xf32> to vector<16xf32>
      %get3A_80 = arith.constant 0 : i32
      %get3A_81 = arith.index_cast %get3A_80 : i32 to index
      %get3A_82 = arith.index_cast %mul3A_74 : i32 to index
      %get3A_83 = tpu.vector_load %arg5[%get3A_81, %get3A_82] {strides = array<i32>} : memref<64x256xf32, #tpu.memory_space<vmem>>, vector<1x16xf32>,
      %get3A_84 = vector.shape_cast %get3A_83 : vector<1x16xf32> to vector<16xf32>
      %mul3A_85 = arith.mulf %get3A_79, %get3A_84 : vector<16xf32>
      %add3A_86 = arith.addf %broadcast_in_dim3A_75, %mul3A_85 : vector<16xf32>
      %get3A_87 = arith.constant 1 : i32
      %get3A_88 = arith.index_cast %get3A_87 : i32 to index
      %get3A_89 = arith.index_cast %mul3A_74 : i32 to index
      %get3A_90 = tpu.vector_load %arg4[%get3A_88, %get3A_89] {strides = array<i32>} : memref<64x256xf32, #tpu.memory_space<vmem>>, vector<1x16xf32>,
      %get3A_91 = vector.shape_cast %get3A_90 : vector<1x16xf32> to vector<16xf32>
      %get3A_92 = arith.constant 1 : i32
      %get3A_93 = arith.index_cast %get3A_92 : i32 to index
      %get3A_94 = arith.index_cast %mul3A_74 : i32 to index
      %get3A_95 = tpu.vector_load %arg5[%get3A_93, %get3A_94] {strides = array<i32>} : memref<64x256xf32, #tpu.memory_space<vmem>>, vector<1x16xf32>,
      %get3A_96 = vector.shape_cast %get3A_95 : vector<1x16xf32> to vector<16xf32>
      %mul3A_97 = arith.mulf %get3A_91, %get3A_96 : vector<16xf32>
      %add3A_98 = arith.addf %add3A_86, %mul3A_97 : vector<16xf32>
      %get3A_99 = arith.constant 2 : i32
      %get3A_100 = arith.index_cast %get3A_99 : i32 to index
      %get3A_101 = arith.index_cast %mul3A_74 : i32 to index
      %get3A_102 = tpu.vector_load %arg4[%get3A_100, %get3A_101] {strides = array<i32>} : memref<64x256xf32, #tpu.memory_space<vmem>>, vector<1x16xf32>,
      %get3A_103 = vector.shape_cast %get3A_102 : vector<1x16xf32> to vector<16xf32>
      %get3A_104 = arith.constant 2 : i32
      %get3A_105 = arith.index_cast %get3A_104 : i32 to index
      %get3A_106 = arith.index_cast %mul3A_74 : i32 to index
      %get3A_107 = tpu.vector_load %arg5[%get3A_105, %get3A_106] {strides = array<i32>} : memref<64x256xf32, #tpu.memory_space<vmem>>, vector<1x16xf32>,
      %get3A_108 = vector.shape_cast %get3A_107 : vector<1x16xf32> to vector<16xf32>
      %mul3A_109 = arith.mulf %get3A_103, %get3A_108 : vector<16xf32>
      %add3A_110 = arith.addf %add3A_98, %mul3A_109 : vector<16xf32>
      %get3A_111 = arith.constant 3 : i32
      %get3A_112 = arith.index_cast %get3A_111 : i32 to index
      %get3A_113 = arith.index_cast %mul3A_74 : i32 to index
      %get3A_114 = tpu.vector_load %arg4[%get3A_112, %get3A_113] {strides = array<i32>} : memref<64x256xf32, #tpu.memory_space<vmem>>, vector<1x16xf32>,
      %get3A_115 = vector.shape_cast %get3A_114 : vector<1x16xf32> to vector<16xf32>
      %get3A_116 = arith.constant 3 : i32
      %get3A_117 = arith.index_cast %get3A_116 : i32 to index
      %get3A_118 = arith.index_cast %mul3A_74 : i32 to index
      %get3A_119 = tpu.vector_load %arg5[%get3A_117, %get3A_118] {strides = array<i32>} : memref<64x256xf32, #tpu.memory_space<vmem>>, vector<1x16xf32>,
      %get3A_120 = vector.shape_cast %get3A_119 : vector<1x16xf32> to vector<16xf32>
      %mul3A_121 = arith.mulf %get3A_115, %get3A_120 : vector<16xf32>
      %add3A_122 = arith.addf %add3A_110, %mul3A_121 : vector<16xf32>
      %get3A_123 = arith.constant 4 : i32
      %get3A_124 = arith.index_cast %get3A_123 : i32 to index
      %get3A_125 = arith.index_cast %mul3A_74 : i32 to index
      %get3A_126 = tpu.vector_load %arg4[%get3A_124, %get3A_125] {strides = array<i32>} : memref<64x256xf32, #tpu.memory_space<vmem>>, vector<1x16xf32>,
      %get3A_127 = vector.shape_cast %get3A_126 : vector<1x16xf32> to vector<16xf32>
      %get3A_128 = arith.constant 4 : i32
      %get3A_129 = arith.index_cast %get3A_128 : i32 to index
      %get3A_130 = arith.index_cast %mul3A_74 : i32 to index
      %get3A_131 = tpu.vector_load %arg5[%get3A_129, %get3A_130] {strides = array<i32>} : memref<64x256xf32, #tpu.memory_space<vmem>>, vector<1x16xf32>,
      %get3A_132 = vector.shape_cast %get3A_131 : vector<1x16xf32> to vector<16xf32>
      %mul3A_133 = arith.mulf %get3A_127, %get3A_132 : vector<16xf32>
      %add3A_134 = arith.addf %add3A_122, %mul3A_133 : vector<16xf32>
      %get3A_135 = arith.constant 5 : i32
      %get3A_136 = arith.index_cast %get3A_135 : i32 to index
      %get3A_137 = arith.index_cast %mul3A_74 : i32 to index
      %get3A_138 = tpu.vector_load %arg4[%get3A_136, %get3A_137] {strides = array<i32>} : memref<64x256xf32, #tpu.memory_space<vmem>>, vector<1x16xf32>,
      %get3A_139 = vector.shape_cast %get3A_138 : vector<1x16xf32> to vector<16xf32>
      %get3A_140 = arith.constant 5 : i32
      %get3A_141 = arith.index_cast %get3A_140 : i32 to index
      %get3A_142 = arith.index_cast %mul3A_74 : i32 to index
      %get3A_143 = tpu.vector_load %arg5[%get3A_141, %get3A_142] {strides = array<i32>} : memref<64x256xf32, #tpu.memory_space<vmem>>, vector<1x16xf32>,
      %get3A_144 = vector.shape_cast %get3A_143 : vector<1x16xf32> to vector<16xf32>
      %mul3A_145 = arith.mulf %get3A_139, %get3A_144 : vector<16xf32>
      %add3A_146 = arith.addf %add3A_134, %mul3A_145 : vector<16xf32>
      %get3A_147 = arith.constant 6 : i32
      %get3A_148 = arith.index_cast %get3A_147 : i32 to index
      %get3A_149 = arith.index_cast %mul3A_74 : i32 to index
      %get3A_150 = tpu.vector_load %arg4[%get3A_148, %get3A_149] {strides = array<i32>} : memref<64x256xf32, #tpu.memory_space<vmem>>, vector<1x16xf32>,
      %get3A_151 = vector.shape_cast %get3A_150 : vector<1x16xf32> to vector<16xf32>
      %get3A_152 = arith.constant 6 : i32
      %get3A_153 = arith.index_cast %get3A_152 : i32 to index
      %get3A_154 = arith.index_cast %mul3A_74 : i32 to index
      %get3A_155 = tpu.vector_load %arg5[%get3A_153, %get3A_154] {strides = array<i32>} : memref<64x256xf32, #tpu.memory_space<vmem>>, vector<1x16xf32>,
      %get3A_156 = vector.shape_cast %get3A_155 : vector<1x16xf32> to vector<16xf32>
      %mul3A_157 = arith.mulf %get3A_151, %get3A_156 : vector<16xf32>
      %add3A_158 = arith.addf %add3A_146, %mul3A_157 : vector<16xf32>
      %get3A_159 = arith.constant 7 : i32
      %get3A_160 = arith.index_cast %get3A_159 : i32 to index
      %get3A_161 = arith.index_cast %mul3A_74 : i32 to index
      %get3A_162 = tpu.vector_load %arg4[%get3A_160, %get3A_161] {strides = array<i32>} : memref<64x256xf32, #tpu.memory_space<vmem>>, vector<1x16xf32>,
      %get3A_163 = vector.shape_cast %get3A_162 : vector<1x16xf32> to vector<16xf32>
      %get3A_164 = arith.constant 7 : i32
      %get3A_165 = arith.index_cast %get3A_164 : i32 to index
      %get3A_166 = arith.index_cast %mul3A_74 : i32 to index
      %get3A_167 = tpu.vector_load %arg5[%get3A_165, %get3A_166] {strides = array<i32>} : memref<64x256xf32, #tpu.memory_space<vmem>>, vector<1x16xf32>,
      %get3A_168 = vector.shape_cast %get3A_167 : vector<1x16xf32> to vector<16xf32>
      %mul3A_169 = arith.mulf %get3A_163, %get3A_168 : vector<16xf32>
      %add3A_170 = arith.addf %add3A_158, %mul3A_169 : vector<16xf32>
      %get3A_171 = arith.constant 8 : i32
      %get3A_172 = arith.index_cast %get3A_171 : i32 to index
      %get3A_173 = arith.index_cast %mul3A_74 : i32 to index
      %get3A_174 = tpu.vector_load %arg4[%get3A_172, %get3A_173] {strides = array<i32>} : memref<64x256xf32, #tpu.memory_space<vmem>>, vector<1x16xf32>,
      %get3A_175 = vector.shape_cast %get3A_174 : vector<1x16xf32> to vector<16xf32>
      %get3A_176 = arith.constant 8 : i32
      %get3A_177 = arith.index_cast %get3A_176 : i32 to index
      %get3A_178 = arith.index_cast %mul3A_74 : i32 to index
      %get3A_179 = tpu.vector_load %arg5[%get3A_177, %get3A_178] {strides = array<i32>} : memref<64x256xf32, #tpu.memory_space<vmem>>, vector<1x16xf32>,
      %get3A_180 = vector.shape_cast %get3A_179 : vector<1x16xf32> to vector<16xf32>
      %mul3A_181 = arith.mulf %get3A_175, %get3A_180 : vector<16xf32>
      %add3A_182 = arith.addf %add3A_170, %mul3A_181 : vector<16xf32>
      %get3A_183 = arith.constant 9 : i32
      %get3A_184 = arith.index_cast %get3A_183 : i32 to index
      %get3A_185 = arith.index_cast %mul3A_74 : i32 to index
      %get3A_186 = tpu.vector_load %arg4[%get3A_184, %get3A_185] {strides = array<i32>} : memref<64x256xf32, #tpu.memory_space<vmem>>, vector<1x16xf32>,
      %get3A_187 = vector.shape_cast %get3A_186 : vector<1x16xf32> to vector<16xf32>
      %get3A_188 = arith.constant 9 : i32
      %get3A_189 = arith.index_cast %get3A_188 : i32 to index
      %get3A_190 = arith.index_cast %mul3A_74 : i32 to index
      %get3A_191 = tpu.vector_load %arg5[%get3A_189, %get3A_190] {strides = array<i32>} : memref<64x256xf32, #tpu.memory_space<vmem>>, vector<1x16xf32>,
      %get3A_192 = vector.shape_cast %get3A_191 : vector<1x16xf32> to vector<16xf32>
      %mul3A_193 = arith.mulf %get3A_187, %get3A_192 : vector<16xf32>
      %add3A_194 = arith.addf %add3A_182, %mul3A_193 : vector<16xf32>
      %get3A_195 = arith.constant 10 : i32
      %get3A_196 = arith.index_cast %get3A_195 : i32 to index
      %get3A_197 = arith.index_cast %mul3A_74 : i32 to index
      %get3A_198 = tpu.vector_load %arg4[%get3A_196, %get3A_197] {strides = array<i32>} : memref<64x256xf32, #tpu.memory_space<vmem>>, vector<1x16xf32>,
      %get3A_199 = vector.shape_cast %get3A_198 : vector<1x16xf32> to vector<16xf32>
      %get3A_200 = arith.constant 10 : i32
      %get3A_201 = arith.index_cast %get3A_200 : i32 to index
      %get3A_202 = arith.index_cast %mul3A_74 : i32 to index
      %get3A_203 = tpu.vector_load %arg5[%get3A_201, %get3A_202] {strides = array<i32>} : memref<64x256xf32, #tpu.memory_space<vmem>>, vector<1x16xf32>,
      %get3A_204 = vector.shape_cast %get3A_203 : vector<1x16xf32> to vector<16xf32>
      %mul3A_205 = arith.mulf %get3A_199, %get3A_204 : vector<16xf32>
      %add3A_206 = arith.addf %add3A_194, %mul3A_205 : vector<16xf32>
      %get3A_207 = arith.constant 11 : i32
      %get3A_208 = arith.index_cast %get3A_207 : i32 to index
      %get3A_209 = arith.index_cast %mul3A_74 : i32 to index
      %get3A_210 = tpu.vector_load %arg4[%get3A_208, %get3A_209] {strides = array<i32>} : memref<64x256xf32, #tpu.memory_space<vmem>>, vector<1x16xf32>,
      %get3A_211 = vector.shape_cast %get3A_210 : vector<1x16xf32> to vector<16xf32>
      %get3A_212 = arith.constant 11 : i32
      %get3A_213 = arith.index_cast %get3A_212 : i32 to index
      %get3A_214 = arith.index_cast %mul3A_74 : i32 to index
      %get3A_215 = tpu.vector_load %arg5[%get3A_213, %get3A_214] {strides = array<i32>} : memref<64x256xf32, #tpu.memory_space<vmem>>, vector<1x16xf32>,
      %get3A_216 = vector.shape_cast %get3A_215 : vector<1x16xf32> to vector<16xf32>
      %mul3A_217 = arith.mulf %get3A_211, %get3A_216 : vector<16xf32>
      %add3A_218 = arith.addf %add3A_206, %mul3A_217 : vector<16xf32>
      %get3A_219 = arith.constant 12 : i32
      %get3A_220 = arith.index_cast %get3A_219 : i32 to index
      %get3A_221 = arith.index_cast %mul3A_74 : i32 to index
      %get3A_222 = tpu.vector_load %arg4[%get3A_220, %get3A_221] {strides = array<i32>} : memref<64x256xf32, #tpu.memory_space<vmem>>, vector<1x16xf32>,
      %get3A_223 = vector.shape_cast %get3A_222 : vector<1x16xf32> to vector<16xf32>
      %get3A_224 = arith.constant 12 : i32
      %get3A_225 = arith.index_cast %get3A_224 : i32 to index
      %get3A_226 = arith.index_cast %mul3A_74 : i32 to index
      %get3A_227 = tpu.vector_load %arg5[%get3A_225, %get3A_226] {strides = array<i32>} : memref<64x256xf32, #tpu.memory_space<vmem>>, vector<1x16xf32>,
      %get3A_228 = vector.shape_cast %get3A_227 : vector<1x16xf32> to vector<16xf32>
      %mul3A_229 = arith.mulf %get3A_223, %get3A_228 : vector<16xf32>
      %add3A_230 = arith.addf %add3A_218, %mul3A_229 : vector<16xf32>
      %get3A_231 = arith.constant 13 : i32
      %get3A_232 = arith.index_cast %get3A_231 : i32 to index
      %get3A_233 = arith.index_cast %mul3A_74 : i32 to index
      %get3A_234 = tpu.vector_load %arg4[%get3A_232, %get3A_233] {strides = array<i32>} : memref<64x256xf32, #tpu.memory_space<vmem>>, vector<1x16xf32>,
      %get3A_235 = vector.shape_cast %get3A_234 : vector<1x16xf32> to vector<16xf32>
      %get3A_236 = arith.constant 13 : i32
      %get3A_237 = arith.index_cast %get3A_236 : i32 to index
      %get3A_238 = arith.index_cast %mul3A_74 : i32 to index
      %get3A_239 = tpu.vector_load %arg5[%get3A_237, %get3A_238] {strides = array<i32>} : memref<64x256xf32, #tpu.memory_space<vmem>>, vector<1x16xf32>,
      %get3A_240 = vector.shape_cast %get3A_239 : vector<1x16xf32> to vector<16xf32>
      %mul3A_241 = arith.mulf %get3A_235, %get3A_240 : vector<16xf32>
      %add3A_242 = arith.addf %add3A_230, %mul3A_241 : vector<16xf32>
      %get3A_243 = arith.constant 14 : i32
      %get3A_244 = arith.index_cast %get3A_243 : i32 to index
      %get3A_245 = arith.index_cast %mul3A_74 : i32 to index
      %get3A_246 = tpu.vector_load %arg4[%get3A_244, %get3A_245] {strides = array<i32>} : memref<64x256xf32, #tpu.memory_space<vmem>>, vector<1x16xf32>,
      %get3A_247 = vector.shape_cast %get3A_246 : vector<1x16xf32> to vector<16xf32>
      %get3A_248 = arith.constant 14 : i32
      %get3A_249 = arith.index_cast %get3A_248 : i32 to index
      %get3A_250 = arith.index_cast %mul3A_74 : i32 to index
      %get3A_251 = tpu.vector_load %arg5[%get3A_249, %get3A_250] {strides = array<i32>} : memref<64x256xf32, #tpu.memory_space<vmem>>, vector<1x16xf32>,
      %get3A_252 = vector.shape_cast %get3A_251 : vector<1x16xf32> to vector<16xf32>
      %mul3A_253 = arith.mulf %get3A_247, %get3A_252 : vector<16xf32>
      %add3A_254 = arith.addf %add3A_242, %mul3A_253 : vector<16xf32>
      %get3A_255 = arith.constant 15 : i32
      %get3A_256 = arith.index_cast %get3A_255 : i32 to index
      %get3A_257 = arith.index_cast %mul3A_74 : i32 to index
      %get3A_258 = tpu.vector_load %arg4[%get3A_256, %get3A_257] {strides = array<i32>} : memref<64x256xf32, #tpu.memory_space<vmem>>, vector<1x16xf32>,
      %get3A_259 = vector.shape_cast %get3A_258 : vector<1x16xf32> to vector<16xf32>
      %get3A_260 = arith.constant 15 : i32
      %get3A_261 = arith.index_cast %get3A_260 : i32 to index
      %get3A_262 = arith.index_cast %mul3A_74 : i32 to index
      %get3A_263 = tpu.vector_load %arg5[%get3A_261, %get3A_262] {strides = array<i32>} : memref<64x256xf32, #tpu.memory_space<vmem>>, vector<1x16xf32>,
      %get3A_264 = vector.shape_cast %get3A_263 : vector<1x16xf32> to vector<16xf32>
      %mul3A_265 = arith.mulf %get3A_259, %get3A_264 : vector<16xf32>
      %add3A_266 = arith.addf %add3A_254, %mul3A_265 : vector<16xf32>
      %get3A_267 = arith.constant 16 : i32
      %get3A_268 = arith.index_cast %get3A_267 : i32 to index
      %get3A_269 = arith.index_cast %mul3A_74 : i32 to index
      %get3A_270 = tpu.vector_load %arg4[%get3A_268, %get3A_269] {strides = array<i32>} : memref<64x256xf32, #tpu.memory_space<vmem>>, vector<1x16xf32>,
      %get3A_271 = vector.shape_cast %get3A_270 : vector<1x16xf32> to vector<16xf32>
      %get3A_272 = arith.constant 16 : i32
      %get3A_273 = arith.index_cast %get3A_272 : i32 to index
      %get3A_274 = arith.index_cast %mul3A_74 : i32 to index
      %get3A_275 = tpu.vector_load %arg5[%get3A_273, %get3A_274] {strides = array<i32>} : memref<64x256xf32, #tpu.memory_space<vmem>>, vector<1x16xf32>,
      %get3A_276 = vector.shape_cast %get3A_275 : vector<1x16xf32> to vector<16xf32>
      %mul3A_277 = arith.mulf %get3A_271, %get3A_276 : vector<16xf32>
      %add3A_278 = arith.addf %add3A_266, %mul3A_277 : vector<16xf32>
      %get3A_279 = arith.constant 17 : i32
      %get3A_280 = arith.index_cast %get3A_279 : i32 to index
      %get3A_281 = arith.index_cast %mul3A_74 : i32 to index
      %get3A_282 = tpu.vector_load %arg4[%get3A_280, %get3A_281] {strides = array<i32>} : memref<64x256xf32, #tpu.memory_space<vmem>>, vector<1x16xf32>,
      %get3A_283 = vector.shape_cast %get3A_282 : vector<1x16xf32> to vector<16xf32>
      %get3A_284 = arith.constant 17 : i32
      %get3A_285 = arith.index_cast %get3A_284 : i32 to index
      %get3A_286 = arith.index_cast %mul3A_74 : i32 to index
      %get3A_287 = tpu.vector_load %arg5[%get3A_285, %get3A_286] {strides = array<i32>} : memref<64x256xf32, #tpu.memory_space<vmem>>, vector<1x16xf32>,
      %get3A_288 = vector.shape_cast %get3A_287 : vector<1x16xf32> to vector<16xf32>
      %mul3A_289 = arith.mulf %get3A_283, %get3A_288 : vector<16xf32>
      %add3A_290 = arith.addf %add3A_278, %mul3A_289 : vector<16xf32>
      %get3A_291 = arith.constant 18 : i32
      %get3A_292 = arith.index_cast %get3A_291 : i32 to index
      %get3A_293 = arith.index_cast %mul3A_74 : i32 to index
      %get3A_294 = tpu.vector_load %arg4[%get3A_292, %get3A_293] {strides = array<i32>} : memref<64x256xf32, #tpu.memory_space<vmem>>, vector<1x16xf32>,
      %get3A_295 = vector.shape_cast %get3A_294 : vector<1x16xf32> to vector<16xf32>
      %get3A_296 = arith.constant 18 : i32
      %get3A_297 = arith.index_cast %get3A_296 : i32 to index
      %get3A_298 = arith.index_cast %mul3A_74 : i32 to index
      %get3A_299 = tpu.vector_load %arg5[%get3A_297, %get3A_298] {strides = array<i32>} : memref<64x256xf32, #tpu.memory_space<vmem>>, vector<1x16xf32>,
      %get3A_300 = vector.shape_cast %get3A_299 : vector<1x16xf32> to vector<16xf32>
      %mul3A_301 = arith.mulf %get3A_295, %get3A_300 : vector<16xf32>
      %add3A_302 = arith.addf %add3A_290, %mul3A_301 : vector<16xf32>
      %get3A_303 = arith.constant 19 : i32
      %get3A_304 = arith.index_cast %get3A_303 : i32 to index
      %get3A_305 = arith.index_cast %mul3A_74 : i32 to index
      %get3A_306 = tpu.vector_load %arg4[%get3A_304, %get3A_305] {strides = array<i32>} : memref<64x256xf32, #tpu.memory_space<vmem>>, vector<1x16xf32>,
      %get3A_307 = vector.shape_cast %get3A_306 : vector<1x16xf32> to vector<16xf32>
      %get3A_308 = arith.constant 19 : i32
      %get3A_309 = arith.index_cast %get3A_308 : i32 to index
      %get3A_310 = arith.index_cast %mul3A_74 : i32 to index
      %get3A_311 = tpu.vector_load %arg5[%get3A_309, %get3A_310] {strides = array<i32>} : memref<64x256xf32, #tpu.memory_space<vmem>>, vector<1x16xf32>,
      %get3A_312 = vector.shape_cast %get3A_311 : vector<1x16xf32> to vector<16xf32>
      %mul3A_313 = arith.mulf %get3A_307, %get3A_312 : vector<16xf32>
      %add3A_314 = arith.addf %add3A_302, %mul3A_313 : vector<16xf32>
      %get3A_315 = arith.constant 20 : i32
      %get3A_316 = arith.index_cast %get3A_315 : i32 to index
      %get3A_317 = arith.index_cast %mul3A_74 : i32 to index
      %get3A_318 = tpu.vector_load %arg4[%get3A_316, %get3A_317] {strides = array<i32>} : memref<64x256xf32, #tpu.memory_space<vmem>>, vector<1x16xf32>,
      %get3A_319 = vector.shape_cast %get3A_318 : vector<1x16xf32> to vector<16xf32>
      %get3A_320 = arith.constant 20 : i32
      %get3A_321 = arith.index_cast %get3A_320 : i32 to index
      %get3A_322 = arith.index_cast %mul3A_74 : i32 to index
      %get3A_323 = tpu.vector_load %arg5[%get3A_321, %get3A_322] {strides = array<i32>} : memref<64x256xf32, #tpu.memory_space<vmem>>, vector<1x16xf32>,
      %get3A_324 = vector.shape_cast %get3A_323 : vector<1x16xf32> to vector<16xf32>
      %mul3A_325 = arith.mulf %get3A_319, %get3A_324 : vector<16xf32>
      %add3A_326 = arith.addf %add3A_314, %mul3A_325 : vector<16xf32>
      %get3A_327 = arith.constant 21 : i32
      %get3A_328 = arith.index_cast %get3A_327 : i32 to index
      %get3A_329 = arith.index_cast %mul3A_74 : i32 to index
      %get3A_330 = tpu.vector_load %arg4[%get3A_328, %get3A_329] {strides = array<i32>} : memref<64x256xf32, #tpu.memory_space<vmem>>, vector<1x16xf32>,
      %get3A_331 = vector.shape_cast %get3A_330 : vector<1x16xf32> to vector<16xf32>
      %get3A_332 = arith.constant 21 : i32
      %get3A_333 = arith.index_cast %get3A_332 : i32 to index
      %get3A_334 = arith.index_cast %mul3A_74 : i32 to index
      %get3A_335 = tpu.vector_load %arg5[%get3A_333, %get3A_334] {strides = array<i32>} : memref<64x256xf32, #tpu.memory_space<vmem>>, vector<1x16xf32>,
      %get3A_336 = vector.shape_cast %get3A_335 : vector<1x16xf32> to vector<16xf32>
      %mul3A_337 = arith.mulf %get3A_331, %get3A_336 : vector<16xf32>
      %add3A_338 = arith.addf %add3A_326, %mul3A_337 : vector<16xf32>
      %get3A_339 = arith.constant 22 : i32
      %get3A_340 = arith.index_cast %get3A_339 : i32 to index
      %get3A_341 = arith.index_cast %mul3A_74 : i32 to index
      %get3A_342 = tpu.vector_load %arg4[%get3A_340, %get3A_341] {strides = array<i32>} : memref<64x256xf32, #tpu.memory_space<vmem>>, vector<1x16xf32>,
      %get3A_343 = vector.shape_cast %get3A_342 : vector<1x16xf32> to vector<16xf32>
      %get3A_344 = arith.constant 22 : i32
      %get3A_345 = arith.index_cast %get3A_344 : i32 to index
      %get3A_346 = arith.index_cast %mul3A_74 : i32 to index
      %get3A_347 = tpu.vector_load %arg5[%get3A_345, %get3A_346] {strides = array<i32>} : memref<64x256xf32, #tpu.memory_space<vmem>>, vector<1x16xf32>,
      %get3A_348 = vector.shape_cast %get3A_347 : vector<1x16xf32> to vector<16xf32>
      %mul3A_349 = arith.mulf %get3A_343, %get3A_348 : vector<16xf32>
      %add3A_350 = arith.addf %add3A_338, %mul3A_349 : vector<16xf32>
      %get3A_351 = arith.constant 23 : i32
      %get3A_352 = arith.index_cast %get3A_351 : i32 to index
      %get3A_353 = arith.index_cast %mul3A_74 : i32 to index
      %get3A_354 = tpu.vector_load %arg4[%get3A_352, %get3A_353] {strides = array<i32>} : memref<64x256xf32, #tpu.memory_space<vmem>>, vector<1x16xf32>,
      %get3A_355 = vector.shape_cast %get3A_354 : vector<1x16xf32> to vector<16xf32>
      %get3A_356 = arith.constant 23 : i32
      %get3A_357 = arith.index_cast %get3A_356 : i32 to index
      %get3A_358 = arith.index_cast %mul3A_74 : i32 to index
      %get3A_359 = tpu.vector_load %arg5[%get3A_357, %get3A_358] {strides = array<i32>} : memref<64x256xf32, #tpu.memory_space<vmem>>, vector<1x16xf32>,
      %get3A_360 = vector.shape_cast %get3A_359 : vector<1x16xf32> to vector<16xf32>
      %mul3A_361 = arith.mulf %get3A_355, %get3A_360 : vector<16xf32>
      %add3A_362 = arith.addf %add3A_350, %mul3A_361 : vector<16xf32>
      %get3A_363 = arith.constant 24 : i32
      %get3A_364 = arith.index_cast %get3A_363 : i32 to index
      %get3A_365 = arith.index_cast %mul3A_74 : i32 to index
      %get3A_366 = tpu.vector_load %arg4[%get3A_364, %get3A_365] {strides = array<i32>} : memref<64x256xf32, #tpu.memory_space<vmem>>, vector<1x16xf32>,
      %get3A_367 = vector.shape_cast %get3A_366 : vector<1x16xf32> to vector<16xf32>
      %get3A_368 = arith.constant 24 : i32
      %get3A_369 = arith.index_cast %get3A_368 : i32 to index
      %get3A_370 = arith.index_cast %mul3A_74 : i32 to index
      %get3A_371 = tpu.vector_load %arg5[%get3A_369, %get3A_370] {strides = array<i32>} : memref<64x256xf32, #tpu.memory_space<vmem>>, vector<1x16xf32>,
      %get3A_372 = vector.shape_cast %get3A_371 : vector<1x16xf32> to vector<16xf32>
      %mul3A_373 = arith.mulf %get3A_367, %get3A_372 : vector<16xf32>
      %add3A_374 = arith.addf %add3A_362, %mul3A_373 : vector<16xf32>
      %get3A_375 = arith.constant 25 : i32
      %get3A_376 = arith.index_cast %get3A_375 : i32 to index
      %get3A_377 = arith.index_cast %mul3A_74 : i32 to index
      %get3A_378 = tpu.vector_load %arg4[%get3A_376, %get3A_377] {strides = array<i32>} : memref<64x256xf32, #tpu.memory_space<vmem>>, vector<1x16xf32>,
      %get3A_379 = vector.shape_cast %get3A_378 : vector<1x16xf32> to vector<16xf32>
      %get3A_380 = arith.constant 25 : i32
      %get3A_381 = arith.index_cast %get3A_380 : i32 to index
      %get3A_382 = arith.index_cast %mul3A_74 : i32 to index
      %get3A_383 = tpu.vector_load %arg5[%get3A_381, %get3A_382] {strides = array<i32>} : memref<64x256xf32, #tpu.memory_space<vmem>>, vector<1x16xf32>,
      %get3A_384 = vector.shape_cast %get3A_383 : vector<1x16xf32> to vector<16xf32>
      %mul3A_385 = arith.mulf %get3A_379, %get3A_384 : vector<16xf32>
      %add3A_386 = arith.addf %add3A_374, %mul3A_385 : vector<16xf32>
      %get3A_387 = arith.constant 26 : i32
      %get3A_388 = arith.index_cast %get3A_387 : i32 to index
      %get3A_389 = arith.index_cast %mul3A_74 : i32 to index
      %get3A_390 = tpu.vector_load %arg4[%get3A_388, %get3A_389] {strides = array<i32>} : memref<64x256xf32, #tpu.memory_space<vmem>>, vector<1x16xf32>,
      %get3A_391 = vector.shape_cast %get3A_390 : vector<1x16xf32> to vector<16xf32>
      %get3A_392 = arith.constant 26 : i32
      %get3A_393 = arith.index_cast %get3A_392 : i32 to index
      %get3A_394 = arith.index_cast %mul3A_74 : i32 to index
      %get3A_395 = tpu.vector_load %arg5[%get3A_393, %get3A_394] {strides = array<i32>} : memref<64x256xf32, #tpu.memory_space<vmem>>, vector<1x16xf32>,
      %get3A_396 = vector.shape_cast %get3A_395 : vector<1x16xf32> to vector<16xf32>
      %mul3A_397 = arith.mulf %get3A_391, %get3A_396 : vector<16xf32>
      %add3A_398 = arith.addf %add3A_386, %mul3A_397 : vector<16xf32>
      %get3A_399 = arith.constant 27 : i32
      %get3A_400 = arith.index_cast %get3A_399 : i32 to index
      %get3A_401 = arith.index_cast %mul3A_74 : i32 to index
      %get3A_402 = tpu.vector_load %arg4[%get3A_400, %get3A_401] {strides = array<i32>} : memref<64x256xf32, #tpu.memory_space<vmem>>, vector<1x16xf32>,
      %get3A_403 = vector.shape_cast %get3A_402 : vector<1x16xf32> to vector<16xf32>
      %get3A_404 = arith.constant 27 : i32
      %get3A_405 = arith.index_cast %get3A_404 : i32 to index
      %get3A_406 = arith.index_cast %mul3A_74 : i32 to index
      %get3A_407 = tpu.vector_load %arg5[%get3A_405, %get3A_406] {strides = array<i32>} : memref<64x256xf32, #tpu.memory_space<vmem>>, vector<1x16xf32>,
      %get3A_408 = vector.shape_cast %get3A_407 : vector<1x16xf32> to vector<16xf32>
      %mul3A_409 = arith.mulf %get3A_403, %get3A_408 : vector<16xf32>
      %add3A_410 = arith.addf %add3A_398, %mul3A_409 : vector<16xf32>
      %get3A_411 = arith.constant 28 : i32
      %get3A_412 = arith.index_cast %get3A_411 : i32 to index
      %get3A_413 = arith.index_cast %mul3A_74 : i32 to index
      %get3A_414 = tpu.vector_load %arg4[%get3A_412, %get3A_413] {strides = array<i32>} : memref<64x256xf32, #tpu.memory_space<vmem>>, vector<1x16xf32>,
      %get3A_415 = vector.shape_cast %get3A_414 : vector<1x16xf32> to vector<16xf32>
      %get3A_416 = arith.constant 28 : i32
      %get3A_417 = arith.index_cast %get3A_416 : i32 to index
      %get3A_418 = arith.index_cast %mul3A_74 : i32 to index
      %get3A_419 = tpu.vector_load %arg5[%get3A_417, %get3A_418] {strides = array<i32>} : memref<64x256xf32, #tpu.memory_space<vmem>>, vector<1x16xf32>,
      %get3A_420 = vector.shape_cast %get3A_419 : vector<1x16xf32> to vector<16xf32>
      %mul3A_421 = arith.mulf %get3A_415, %get3A_420 : vector<16xf32>
      %add3A_422 = arith.addf %add3A_410, %mul3A_421 : vector<16xf32>
      %get3A_423 = arith.constant 29 : i32
      %get3A_424 = arith.index_cast %get3A_423 : i32 to index
      %get3A_425 = arith.index_cast %mul3A_74 : i32 to index
      %get3A_426 = tpu.vector_load %arg4[%get3A_424, %get3A_425] {strides = array<i32>} : memref<64x256xf32, #tpu.memory_space<vmem>>, vector<1x16xf32>,
      %get3A_427 = vector.shape_cast %get3A_426 : vector<1x16xf32> to vector<16xf32>
      %get3A_428 = arith.constant 29 : i32
      %get3A_429 = arith.index_cast %get3A_428 : i32 to index
      %get3A_430 = arith.index_cast %mul3A_74 : i32 to index
      %get3A_431 = tpu.vector_load %arg5[%get3A_429, %get3A_430] {strides = array<i32>} : memref<64x256xf32, #tpu.memory_space<vmem>>, vector<1x16xf32>,
      %get3A_432 = vector.shape_cast %get3A_431 : vector<1x16xf32> to vector<16xf32>
      %mul3A_433 = arith.mulf %get3A_427, %get3A_432 : vector<16xf32>
      %add3A_434 = arith.addf %add3A_422, %mul3A_433 : vector<16xf32>
      %get3A_435 = arith.constant 30 : i32
      %get3A_436 = arith.index_cast %get3A_435 : i32 to index
      %get3A_437 = arith.index_cast %mul3A_74 : i32 to index
      %get3A_438 = tpu.vector_load %arg4[%get3A_436, %get3A_437] {strides = array<i32>} : memref<64x256xf32, #tpu.memory_space<vmem>>, vector<1x16xf32>,
      %get3A_439 = vector.shape_cast %get3A_438 : vector<1x16xf32> to vector<16xf32>
      %get3A_440 = arith.constant 30 : i32
      %get3A_441 = arith.index_cast %get3A_440 : i32 to index
      %get3A_442 = arith.index_cast %mul3A_74 : i32 to index
      %get3A_443 = tpu.vector_load %arg5[%get3A_441, %get3A_442] {strides = array<i32>} : memref<64x256xf32, #tpu.memory_space<vmem>>, vector<1x16xf32>,
      %get3A_444 = vector.shape_cast %get3A_443 : vector<1x16xf32> to vector<16xf32>
      %mul3A_445 = arith.mulf %get3A_439, %get3A_444 : vector<16xf32>
      %add3A_446 = arith.addf %add3A_434, %mul3A_445 : vector<16xf32>
      %get3A_447 = arith.constant 31 : i32
      %get3A_448 = arith.index_cast %get3A_447 : i32 to index
      %get3A_449 = arith.index_cast %mul3A_74 : i32 to index
      %get3A_450 = tpu.vector_load %arg4[%get3A_448, %get3A_449] {strides = array<i32>} : memref<64x256xf32, #tpu.memory_space<vmem>>, vector<1x16xf32>,
      %get3A_451 = vector.shape_cast %get3A_450 : vector<1x16xf32> to vector<16xf32>
      %get3A_452 = arith.constant 31 : i32
      %get3A_453 = arith.index_cast %get3A_452 : i32 to index
      %get3A_454 = arith.index_cast %mul3A_74 : i32 to index
      %get3A_455 = tpu.vector_load %arg5[%get3A_453, %get3A_454] {strides = array<i32>} : memref<64x256xf32, #tpu.memory_space<vmem>>, vector<1x16xf32>,
      %get3A_456 = vector.shape_cast %get3A_455 : vector<1x16xf32> to vector<16xf32>
      %mul3A_457 = arith.mulf %get3A_451, %get3A_456 : vector<16xf32>
      %add3A_458 = arith.addf %add3A_446, %mul3A_457 : vector<16xf32>
      %get3A_459 = arith.constant 32 : i32
      %get3A_460 = arith.index_cast %get3A_459 : i32 to index
      %get3A_461 = arith.index_cast %mul3A_74 : i32 to index
      %get3A_462 = tpu.vector_load %arg4[%get3A_460, %get3A_461] {strides = array<i32>} : memref<64x256xf32, #tpu.memory_space<vmem>>, vector<1x16xf32>,
      %get3A_463 = vector.shape_cast %get3A_462 : vector<1x16xf32> to vector<16xf32>
      %get3A_464 = arith.constant 32 : i32
      %get3A_465 = arith.index_cast %get3A_464 : i32 to index
      %get3A_466 = arith.index_cast %mul3A_74 : i32 to index
      %get3A_467 = tpu.vector_load %arg5[%get3A_465, %get3A_466] {strides = array<i32>} : memref<64x256xf32, #tpu.memory_space<vmem>>, vector<1x16xf32>,
      %get3A_468 = vector.shape_cast %get3A_467 : vector<1x16xf32> to vector<16xf32>
      %mul3A_469 = arith.mulf %get3A_463, %get3A_468 : vector<16xf32>
      %add3A_470 = arith.addf %add3A_458, %mul3A_469 : vector<16xf32>
      %get3A_471 = arith.constant 33 : i32
      %get3A_472 = arith.index_cast %get3A_471 : i32 to index
      %get3A_473 = arith.index_cast %mul3A_74 : i32 to index
      %get3A_474 = tpu.vector_load %arg4[%get3A_472, %get3A_473] {strides = array<i32>} : memref<64x256xf32, #tpu.memory_space<vmem>>, vector<1x16xf32>,
      %get3A_475 = vector.shape_cast %get3A_474 : vector<1x16xf32> to vector<16xf32>
      %get3A_476 = arith.constant 33 : i32
      %get3A_477 = arith.index_cast %get3A_476 : i32 to index
      %get3A_478 = arith.index_cast %mul3A_74 : i32 to index
      %get3A_479 = tpu.vector_load %arg5[%get3A_477, %get3A_478] {strides = array<i32>} : memref<64x256xf32, #tpu.memory_space<vmem>>, vector<1x16xf32>,
      %get3A_480 = vector.shape_cast %get3A_479 : vector<1x16xf32> to vector<16xf32>
      %mul3A_481 = arith.mulf %get3A_475, %get3A_480 : vector<16xf32>
      %add3A_482 = arith.addf %add3A_470, %mul3A_481 : vector<16xf32>
      %get3A_483 = arith.constant 34 : i32
      %get3A_484 = arith.index_cast %get3A_483 : i32 to index
      %get3A_485 = arith.index_cast %mul3A_74 : i32 to index
      %get3A_486 = tpu.vector_load %arg4[%get3A_484, %get3A_485] {strides = array<i32>} : memref<64x256xf32, #tpu.memory_space<vmem>>, vector<1x16xf32>,
      %get3A_487 = vector.shape_cast %get3A_486 : vector<1x16xf32> to vector<16xf32>
      %get3A_488 = arith.constant 34 : i32
      %get3A_489 = arith.index_cast %get3A_488 : i32 to index
      %get3A_490 = arith.index_cast %mul3A_74 : i32 to index
      %get3A_491 = tpu.vector_load %arg5[%get3A_489, %get3A_490] {strides = array<i32>} : memref<64x256xf32, #tpu.memory_space<vmem>>, vector<1x16xf32>,
      %get3A_492 = vector.shape_cast %get3A_491 : vector<1x16xf32> to vector<16xf32>
      %mul3A_493 = arith.mulf %get3A_487, %get3A_492 : vector<16xf32>
      %add3A_494 = arith.addf %add3A_482, %mul3A_493 : vector<16xf32>
      %get3A_495 = arith.constant 35 : i32
      %get3A_496 = arith.index_cast %get3A_495 : i32 to index
      %get3A_497 = arith.index_cast %mul3A_74 : i32 to index
      %get3A_498 = tpu.vector_load %arg4[%get3A_496, %get3A_497] {strides = array<i32>} : memref<64x256xf32, #tpu.memory_space<vmem>>, vector<1x16xf32>,
      %get3A_499 = vector.shape_cast %get3A_498 : vector<1x16xf32> to vector<16xf32>
      %get3A_500 = arith.constant 35 : i32
      %get3A_501 = arith.index_cast %get3A_500 : i32 to index
      %get3A_502 = arith.index_cast %mul3A_74 : i32 to index
      %get3A_503 = tpu.vector_load %arg5[%get3A_501, %get3A_502] {strides = array<i32>} : memref<64x256xf32, #tpu.memory_space<vmem>>, vector<1x16xf32>,
      %get3A_504 = vector.shape_cast %get3A_503 : vector<1x16xf32> to vector<16xf32>
      %mul3A_505 = arith.mulf %get3A_499, %get3A_504 : vector<16xf32>
      %add3A_506 = arith.addf %add3A_494, %mul3A_505 : vector<16xf32>
      %get3A_507 = arith.constant 36 : i32
      %get3A_508 = arith.index_cast %get3A_507 : i32 to index
      %get3A_509 = arith.index_cast %mul3A_74 : i32 to index
      %get3A_510 = tpu.vector_load %arg4[%get3A_508, %get3A_509] {strides = array<i32>} : memref<64x256xf32, #tpu.memory_space<vmem>>, vector<1x16xf32>,
      %get3A_511 = vector.shape_cast %get3A_510 : vector<1x16xf32> to vector<16xf32>
      %get3A_512 = arith.constant 36 : i32
      %get3A_513 = arith.index_cast %get3A_512 : i32 to index
      %get3A_514 = arith.index_cast %mul3A_74 : i32 to index
      %get3A_515 = tpu.vector_load %arg5[%get3A_513, %get3A_514] {strides = array<i32>} : memref<64x256xf32, #tpu.memory_space<vmem>>, vector<1x16xf32>,
      %get3A_516 = vector.shape_cast %get3A_515 : vector<1x16xf32> to vector<16xf32>
      %mul3A_517 = arith.mulf %get3A_511, %get3A_516 : vector<16xf32>
      %add3A_518 = arith.addf %add3A_506, %mul3A_517 : vector<16xf32>
      %get3A_519 = arith.constant 37 : i32
      %get3A_520 = arith.index_cast %get3A_519 : i32 to index
      %get3A_521 = arith.index_cast %mul3A_74 : i32 to index
      %get3A_522 = tpu.vector_load %arg4[%get3A_520, %get3A_521] {strides = array<i32>} : memref<64x256xf32, #tpu.memory_space<vmem>>, vector<1x16xf32>,
      %get3A_523 = vector.shape_cast %get3A_522 : vector<1x16xf32> to vector<16xf32>
      %get3A_524 = arith.constant 37 : i32
      %get3A_525 = arith.index_cast %get3A_524 : i32 to index
      %get3A_526 = arith.index_cast %mul3A_74 : i32 to index
      %get3A_527 = tpu.vector_load %arg5[%get3A_525, %get3A_526] {strides = array<i32>} : memref<64x256xf32, #tpu.memory_space<vmem>>, vector<1x16xf32>,
      %get3A_528 = vector.shape_cast %get3A_527 : vector<1x16xf32> to vector<16xf32>
      %mul3A_529 = arith.mulf %get3A_523, %get3A_528 : vector<16xf32>
      %add3A_530 = arith.addf %add3A_518, %mul3A_529 : vector<16xf32>
      %get3A_531 = arith.constant 38 : i32
      %get3A_532 = arith.index_cast %get3A_531 : i32 to index
      %get3A_533 = arith.index_cast %mul3A_74 : i32 to index
      %get3A_534 = tpu.vector_load %arg4[%get3A_532, %get3A_533] {strides = array<i32>} : memref<64x256xf32, #tpu.memory_space<vmem>>, vector<1x16xf32>,
      %get3A_535 = vector.shape_cast %get3A_534 : vector<1x16xf32> to vector<16xf32>
      %get3A_536 = arith.constant 38 : i32
      %get3A_537 = arith.index_cast %get3A_536 : i32 to index
      %get3A_538 = arith.index_cast %mul3A_74 : i32 to index
      %get3A_539 = tpu.vector_load %arg5[%get3A_537, %get3A_538] {strides = array<i32>} : memref<64x256xf32, #tpu.memory_space<vmem>>, vector<1x16xf32>,
      %get3A_540 = vector.shape_cast %get3A_539 : vector<1x16xf32> to vector<16xf32>
      %mul3A_541 = arith.mulf %get3A_535, %get3A_540 : vector<16xf32>
      %add3A_542 = arith.addf %add3A_530, %mul3A_541 : vector<16xf32>
      %get3A_543 = arith.constant 39 : i32
      %get3A_544 = arith.index_cast %get3A_543 : i32 to index
      %get3A_545 = arith.index_cast %mul3A_74 : i32 to index
      %get3A_546 = tpu.vector_load %arg4[%get3A_544, %get3A_545] {strides = array<i32>} : memref<64x256xf32, #tpu.memory_space<vmem>>, vector<1x16xf32>,
      %get3A_547 = vector.shape_cast %get3A_546 : vector<1x16xf32> to vector<16xf32>
      %get3A_548 = arith.constant 39 : i32
      %get3A_549 = arith.index_cast %get3A_548 : i32 to index
      %get3A_550 = arith.index_cast %mul3A_74 : i32 to index
      %get3A_551 = tpu.vector_load %arg5[%get3A_549, %get3A_550] {strides = array<i32>} : memref<64x256xf32, #tpu.memory_space<vmem>>, vector<1x16xf32>,
      %get3A_552 = vector.shape_cast %get3A_551 : vector<1x16xf32> to vector<16xf32>
      %mul3A_553 = arith.mulf %get3A_547, %get3A_552 : vector<16xf32>
      %add3A_554 = arith.addf %add3A_542, %mul3A_553 : vector<16xf32>
      %get3A_555 = arith.constant 40 : i32
      %get3A_556 = arith.index_cast %get3A_555 : i32 to index
      %get3A_557 = arith.index_cast %mul3A_74 : i32 to index
      %get3A_558 = tpu.vector_load %arg4[%get3A_556, %get3A_557] {strides = array<i32>} : memref<64x256xf32, #tpu.memory_space<vmem>>, vector<1x16xf32>,
      %get3A_559 = vector.shape_cast %get3A_558 : vector<1x16xf32> to vector<16xf32>
      %get3A_560 = arith.constant 40 : i32
      %get3A_561 = arith.index_cast %get3A_560 : i32 to index
      %get3A_562 = arith.index_cast %mul3A_74 : i32 to index
      %get3A_563 = tpu.vector_load %arg5[%get3A_561, %get3A_562] {strides = array<i32>} : memref<64x256xf32, #tpu.memory_space<vmem>>, vector<1x16xf32>,
      %get3A_564 = vector.shape_cast %get3A_563 : vector<1x16xf32> to vector<16xf32>
      %mul3A_565 = arith.mulf %get3A_559, %get3A_564 : vector<16xf32>
      %add3A_566 = arith.addf %add3A_554, %mul3A_565 : vector<16xf32>
      %get3A_567 = arith.constant 41 : i32
      %get3A_568 = arith.index_cast %get3A_567 : i32 to index
      %get3A_569 = arith.index_cast %mul3A_74 : i32 to index
      %get3A_570 = tpu.vector_load %arg4[%get3A_568, %get3A_569] {strides = array<i32>} : memref<64x256xf32, #tpu.memory_space<vmem>>, vector<1x16xf32>,
      %get3A_571 = vector.shape_cast %get3A_570 : vector<1x16xf32> to vector<16xf32>
      %get3A_572 = arith.constant 41 : i32
      %get3A_573 = arith.index_cast %get3A_572 : i32 to index
      %get3A_574 = arith.index_cast %mul3A_74 : i32 to index
      %get3A_575 = tpu.vector_load %arg5[%get3A_573, %get3A_574] {strides = array<i32>} : memref<64x256xf32, #tpu.memory_space<vmem>>, vector<1x16xf32>,
      %get3A_576 = vector.shape_cast %get3A_575 : vector<1x16xf32> to vector<16xf32>
      %mul3A_577 = arith.mulf %get3A_571, %get3A_576 : vector<16xf32>
      %add3A_578 = arith.addf %add3A_566, %mul3A_577 : vector<16xf32>
      %get3A_579 = arith.constant 42 : i32
      %get3A_580 = arith.index_cast %get3A_579 : i32 to index
      %get3A_581 = arith.index_cast %mul3A_74 : i32 to index
      %get3A_582 = tpu.vector_load %arg4[%get3A_580, %get3A_581] {strides = array<i32>} : memref<64x256xf32, #tpu.memory_space<vmem>>, vector<1x16xf32>,
      %get3A_583 = vector.shape_cast %get3A_582 : vector<1x16xf32> to vector<16xf32>
      %get3A_584 = arith.constant 42 : i32
      %get3A_585 = arith.index_cast %get3A_584 : i32 to index
      %get3A_586 = arith.index_cast %mul3A_74 : i32 to index
      %get3A_587 = tpu.vector_load %arg5[%get3A_585, %get3A_586] {strides = array<i32>} : memref<64x256xf32, #tpu.memory_space<vmem>>, vector<1x16xf32>,
      %get3A_588 = vector.shape_cast %get3A_587 : vector<1x16xf32> to vector<16xf32>
      %mul3A_589 = arith.mulf %get3A_583, %get3A_588 : vector<16xf32>
      %add3A_590 = arith.addf %add3A_578, %mul3A_589 : vector<16xf32>
      %get3A_591 = arith.constant 43 : i32
      %get3A_592 = arith.index_cast %get3A_591 : i32 to index
      %get3A_593 = arith.index_cast %mul3A_74 : i32 to index
      %get3A_594 = tpu.vector_load %arg4[%get3A_592, %get3A_593] {strides = array<i32>} : memref<64x256xf32, #tpu.memory_space<vmem>>, vector<1x16xf32>,
      %get3A_595 = vector.shape_cast %get3A_594 : vector<1x16xf32> to vector<16xf32>
      %get3A_596 = arith.constant 43 : i32
      %get3A_597 = arith.index_cast %get3A_596 : i32 to index
      %get3A_598 = arith.index_cast %mul3A_74 : i32 to index
      %get3A_599 = tpu.vector_load %arg5[%get3A_597, %get3A_598] {strides = array<i32>} : memref<64x256xf32, #tpu.memory_space<vmem>>, vector<1x16xf32>,
      %get3A_600 = vector.shape_cast %get3A_599 : vector<1x16xf32> to vector<16xf32>
      %mul3A_601 = arith.mulf %get3A_595, %get3A_600 : vector<16xf32>
      %add3A_602 = arith.addf %add3A_590, %mul3A_601 : vector<16xf32>
      %get3A_603 = arith.constant 44 : i32
      %get3A_604 = arith.index_cast %get3A_603 : i32 to index
      %get3A_605 = arith.index_cast %mul3A_74 : i32 to index
      %get3A_606 = tpu.vector_load %arg4[%get3A_604, %get3A_605] {strides = array<i32>} : memref<64x256xf32, #tpu.memory_space<vmem>>, vector<1x16xf32>,
      %get3A_607 = vector.shape_cast %get3A_606 : vector<1x16xf32> to vector<16xf32>
      %get3A_608 = arith.constant 44 : i32
      %get3A_609 = arith.index_cast %get3A_608 : i32 to index
      %get3A_610 = arith.index_cast %mul3A_74 : i32 to index
      %get3A_611 = tpu.vector_load %arg5[%get3A_609, %get3A_610] {strides = array<i32>} : memref<64x256xf32, #tpu.memory_space<vmem>>, vector<1x16xf32>,
      %get3A_612 = vector.shape_cast %get3A_611 : vector<1x16xf32> to vector<16xf32>
      %mul3A_613 = arith.mulf %get3A_607, %get3A_612 : vector<16xf32>
      %add3A_614 = arith.addf %add3A_602, %mul3A_613 : vector<16xf32>
      %get3A_615 = arith.constant 45 : i32
      %get3A_616 = arith.index_cast %get3A_615 : i32 to index
      %get3A_617 = arith.index_cast %mul3A_74 : i32 to index
      %get3A_618 = tpu.vector_load %arg4[%get3A_616, %get3A_617] {strides = array<i32>} : memref<64x256xf32, #tpu.memory_space<vmem>>, vector<1x16xf32>,
      %get3A_619 = vector.shape_cast %get3A_618 : vector<1x16xf32> to vector<16xf32>
      %get3A_620 = arith.constant 45 : i32
      %get3A_621 = arith.index_cast %get3A_620 : i32 to index
      %get3A_622 = arith.index_cast %mul3A_74 : i32 to index
      %get3A_623 = tpu.vector_load %arg5[%get3A_621, %get3A_622] {strides = array<i32>} : memref<64x256xf32, #tpu.memory_space<vmem>>, vector<1x16xf32>,
      %get3A_624 = vector.shape_cast %get3A_623 : vector<1x16xf32> to vector<16xf32>
      %mul3A_625 = arith.mulf %get3A_619, %get3A_624 : vector<16xf32>
      %add3A_626 = arith.addf %add3A_614, %mul3A_625 : vector<16xf32>
      %get3A_627 = arith.constant 46 : i32
      %get3A_628 = arith.index_cast %get3A_627 : i32 to index
      %get3A_629 = arith.index_cast %mul3A_74 : i32 to index
      %get3A_630 = tpu.vector_load %arg4[%get3A_628, %get3A_629] {strides = array<i32>} : memref<64x256xf32, #tpu.memory_space<vmem>>, vector<1x16xf32>,
      %get3A_631 = vector.shape_cast %get3A_630 : vector<1x16xf32> to vector<16xf32>
      %get3A_632 = arith.constant 46 : i32
      %get3A_633 = arith.index_cast %get3A_632 : i32 to index
      %get3A_634 = arith.index_cast %mul3A_74 : i32 to index
      %get3A_635 = tpu.vector_load %arg5[%get3A_633, %get3A_634] {strides = array<i32>} : memref<64x256xf32, #tpu.memory_space<vmem>>, vector<1x16xf32>,
      %get3A_636 = vector.shape_cast %get3A_635 : vector<1x16xf32> to vector<16xf32>
      %mul3A_637 = arith.mulf %get3A_631, %get3A_636 : vector<16xf32>
      %add3A_638 = arith.addf %add3A_626, %mul3A_637 : vector<16xf32>
      %get3A_639 = arith.constant 47 : i32
      %get3A_640 = arith.index_cast %get3A_639 : i32 to index
      %get3A_641 = arith.index_cast %mul3A_74 : i32 to index
      %get3A_642 = tpu.vector_load %arg4[%get3A_640, %get3A_641] {strides = array<i32>} : memref<64x256xf32, #tpu.memory_space<vmem>>, vector<1x16xf32>,
      %get3A_643 = vector.shape_cast %get3A_642 : vector<1x16xf32> to vector<16xf32>
      %get3A_644 = arith.constant 47 : i32
      %get3A_645 = arith.index_cast %get3A_644 : i32 to index
      %get3A_646 = arith.index_cast %mul3A_74 : i32 to index
      %get3A_647 = tpu.vector_load %arg5[%get3A_645, %get3A_646] {strides = array<i32>} : memref<64x256xf32, #tpu.memory_space<vmem>>, vector<1x16xf32>,
      %get3A_648 = vector.shape_cast %get3A_647 : vector<1x16xf32> to vector<16xf32>
      %mul3A_649 = arith.mulf %get3A_643, %get3A_648 : vector<16xf32>
      %add3A_650 = arith.addf %add3A_638, %mul3A_649 : vector<16xf32>
      %get3A_651 = arith.constant 48 : i32
      %get3A_652 = arith.index_cast %get3A_651 : i32 to index
      %get3A_653 = arith.index_cast %mul3A_74 : i32 to index
      %get3A_654 = tpu.vector_load %arg4[%get3A_652, %get3A_653] {strides = array<i32>} : memref<64x256xf32, #tpu.memory_space<vmem>>, vector<1x16xf32>,
      %get3A_655 = vector.shape_cast %get3A_654 : vector<1x16xf32> to vector<16xf32>
      %get3A_656 = arith.constant 48 : i32
      %get3A_657 = arith.index_cast %get3A_656 : i32 to index
      %get3A_658 = arith.index_cast %mul3A_74 : i32 to index
      %get3A_659 = tpu.vector_load %arg5[%get3A_657, %get3A_658] {strides = array<i32>} : memref<64x256xf32, #tpu.memory_space<vmem>>, vector<1x16xf32>,
      %get3A_660 = vector.shape_cast %get3A_659 : vector<1x16xf32> to vector<16xf32>
      %mul3A_661 = arith.mulf %get3A_655, %get3A_660 : vector<16xf32>
      %add3A_662 = arith.addf %add3A_650, %mul3A_661 : vector<16xf32>
      %get3A_663 = arith.constant 49 : i32
      %get3A_664 = arith.index_cast %get3A_663 : i32 to index
      %get3A_665 = arith.index_cast %mul3A_74 : i32 to index
      %get3A_666 = tpu.vector_load %arg4[%get3A_664, %get3A_665] {strides = array<i32>} : memref<64x256xf32, #tpu.memory_space<vmem>>, vector<1x16xf32>,
      %get3A_667 = vector.shape_cast %get3A_666 : vector<1x16xf32> to vector<16xf32>
      %get3A_668 = arith.constant 49 : i32
      %get3A_669 = arith.index_cast %get3A_668 : i32 to index
      %get3A_670 = arith.index_cast %mul3A_74 : i32 to index
      %get3A_671 = tpu.vector_load %arg5[%get3A_669, %get3A_670] {strides = array<i32>} : memref<64x256xf32, #tpu.memory_space<vmem>>, vector<1x16xf32>,
      %get3A_672 = vector.shape_cast %get3A_671 : vector<1x16xf32> to vector<16xf32>
      %mul3A_673 = arith.mulf %get3A_667, %get3A_672 : vector<16xf32>
      %add3A_674 = arith.addf %add3A_662, %mul3A_673 : vector<16xf32>
      %get3A_675 = arith.constant 50 : i32
      %get3A_676 = arith.index_cast %get3A_675 : i32 to index
      %get3A_677 = arith.index_cast %mul3A_74 : i32 to index
      %get3A_678 = tpu.vector_load %arg4[%get3A_676, %get3A_677] {strides = array<i32>} : memref<64x256xf32, #tpu.memory_space<vmem>>, vector<1x16xf32>,
      %get3A_679 = vector.shape_cast %get3A_678 : vector<1x16xf32> to vector<16xf32>
      %get3A_680 = arith.constant 50 : i32
      %get3A_681 = arith.index_cast %get3A_680 : i32 to index
      %get3A_682 = arith.index_cast %mul3A_74 : i32 to index
      %get3A_683 = tpu.vector_load %arg5[%get3A_681, %get3A_682] {strides = array<i32>} : memref<64x256xf32, #tpu.memory_space<vmem>>, vector<1x16xf32>,
      %get3A_684 = vector.shape_cast %get3A_683 : vector<1x16xf32> to vector<16xf32>
      %mul3A_685 = arith.mulf %get3A_679, %get3A_684 : vector<16xf32>
      %add3A_686 = arith.addf %add3A_674, %mul3A_685 : vector<16xf32>
      %get3A_687 = arith.constant 51 : i32
      %get3A_688 = arith.index_cast %get3A_687 : i32 to index
      %get3A_689 = arith.index_cast %mul3A_74 : i32 to index
      %get3A_690 = tpu.vector_load %arg4[%get3A_688, %get3A_689] {strides = array<i32>} : memref<64x256xf32, #tpu.memory_space<vmem>>, vector<1x16xf32>,
      %get3A_691 = vector.shape_cast %get3A_690 : vector<1x16xf32> to vector<16xf32>
      %get3A_692 = arith.constant 51 : i32
      %get3A_693 = arith.index_cast %get3A_692 : i32 to index
      %get3A_694 = arith.index_cast %mul3A_74 : i32 to index
      %get3A_695 = tpu.vector_load %arg5[%get3A_693, %get3A_694] {strides = array<i32>} : memref<64x256xf32, #tpu.memory_space<vmem>>, vector<1x16xf32>,
      %get3A_696 = vector.shape_cast %get3A_695 : vector<1x16xf32> to vector<16xf32>
      %mul3A_697 = arith.mulf %get3A_691, %get3A_696 : vector<16xf32>
      %add3A_698 = arith.addf %add3A_686, %mul3A_697 : vector<16xf32>
      %get3A_699 = arith.constant 52 : i32
      %get3A_700 = arith.index_cast %get3A_699 : i32 to index
      %get3A_701 = arith.index_cast %mul3A_74 : i32 to index
      %get3A_702 = tpu.vector_load %arg4[%get3A_700, %get3A_701] {strides = array<i32>} : memref<64x256xf32, #tpu.memory_space<vmem>>, vector<1x16xf32>,
      %get3A_703 = vector.shape_cast %get3A_702 : vector<1x16xf32> to vector<16xf32>
      %get3A_704 = arith.constant 52 : i32
      %get3A_705 = arith.index_cast %get3A_704 : i32 to index
      %get3A_706 = arith.index_cast %mul3A_74 : i32 to index
      %get3A_707 = tpu.vector_load %arg5[%get3A_705, %get3A_706] {strides = array<i32>} : memref<64x256xf32, #tpu.memory_space<vmem>>, vector<1x16xf32>,
      %get3A_708 = vector.shape_cast %get3A_707 : vector<1x16xf32> to vector<16xf32>
      %mul3A_709 = arith.mulf %get3A_703, %get3A_708 : vector<16xf32>
      %add3A_710 = arith.addf %add3A_698, %mul3A_709 : vector<16xf32>
      %get3A_711 = arith.constant 53 : i32
      %get3A_712 = arith.index_cast %get3A_711 : i32 to index
      %get3A_713 = arith.index_cast %mul3A_74 : i32 to index
      %get3A_714 = tpu.vector_load %arg4[%get3A_712, %get3A_713] {strides = array<i32>} : memref<64x256xf32, #tpu.memory_space<vmem>>, vector<1x16xf32>,
      %get3A_715 = vector.shape_cast %get3A_714 : vector<1x16xf32> to vector<16xf32>
      %get3A_716 = arith.constant 53 : i32
      %get3A_717 = arith.index_cast %get3A_716 : i32 to index
      %get3A_718 = arith.index_cast %mul3A_74 : i32 to index
      %get3A_719 = tpu.vector_load %arg5[%get3A_717, %get3A_718] {strides = array<i32>} : memref<64x256xf32, #tpu.memory_space<vmem>>, vector<1x16xf32>,
      %get3A_720 = vector.shape_cast %get3A_719 : vector<1x16xf32> to vector<16xf32>
      %mul3A_721 = arith.mulf %get3A_715, %get3A_720 : vector<16xf32>
      %add3A_722 = arith.addf %add3A_710, %mul3A_721 : vector<16xf32>
      %get3A_723 = arith.constant 54 : i32
      %get3A_724 = arith.index_cast %get3A_723 : i32 to index
      %get3A_725 = arith.index_cast %mul3A_74 : i32 to index
      %get3A_726 = tpu.vector_load %arg4[%get3A_724, %get3A_725] {strides = array<i32>} : memref<64x256xf32, #tpu.memory_space<vmem>>, vector<1x16xf32>,
      %get3A_727 = vector.shape_cast %get3A_726 : vector<1x16xf32> to vector<16xf32>
      %get3A_728 = arith.constant 54 : i32
      %get3A_729 = arith.index_cast %get3A_728 : i32 to index
      %get3A_730 = arith.index_cast %mul3A_74 : i32 to index
      %get3A_731 = tpu.vector_load %arg5[%get3A_729, %get3A_730] {strides = array<i32>} : memref<64x256xf32, #tpu.memory_space<vmem>>, vector<1x16xf32>,
      %get3A_732 = vector.shape_cast %get3A_731 : vector<1x16xf32> to vector<16xf32>
      %mul3A_733 = arith.mulf %get3A_727, %get3A_732 : vector<16xf32>
      %add3A_734 = arith.addf %add3A_722, %mul3A_733 : vector<16xf32>
      %get3A_735 = arith.constant 55 : i32
      %get3A_736 = arith.index_cast %get3A_735 : i32 to index
      %get3A_737 = arith.index_cast %mul3A_74 : i32 to index
      %get3A_738 = tpu.vector_load %arg4[%get3A_736, %get3A_737] {strides = array<i32>} : memref<64x256xf32, #tpu.memory_space<vmem>>, vector<1x16xf32>,
      %get3A_739 = vector.shape_cast %get3A_738 : vector<1x16xf32> to vector<16xf32>
      %get3A_740 = arith.constant 55 : i32
      %get3A_741 = arith.index_cast %get3A_740 : i32 to index
      %get3A_742 = arith.index_cast %mul3A_74 : i32 to index
      %get3A_743 = tpu.vector_load %arg5[%get3A_741, %get3A_742] {strides = array<i32>} : memref<64x256xf32, #tpu.memory_space<vmem>>, vector<1x16xf32>,
      %get3A_744 = vector.shape_cast %get3A_743 : vector<1x16xf32> to vector<16xf32>
      %mul3A_745 = arith.mulf %get3A_739, %get3A_744 : vector<16xf32>
      %add3A_746 = arith.addf %add3A_734, %mul3A_745 : vector<16xf32>
      %get3A_747 = arith.constant 56 : i32
      %get3A_748 = arith.index_cast %get3A_747 : i32 to index
      %get3A_749 = arith.index_cast %mul3A_74 : i32 to index
      %get3A_750 = tpu.vector_load %arg4[%get3A_748, %get3A_749] {strides = array<i32>} : memref<64x256xf32, #tpu.memory_space<vmem>>, vector<1x16xf32>,
      %get3A_751 = vector.shape_cast %get3A_750 : vector<1x16xf32> to vector<16xf32>
      %get3A_752 = arith.constant 56 : i32
      %get3A_753 = arith.index_cast %get3A_752 : i32 to index
      %get3A_754 = arith.index_cast %mul3A_74 : i32 to index
      %get3A_755 = tpu.vector_load %arg5[%get3A_753, %get3A_754] {strides = array<i32>} : memref<64x256xf32, #tpu.memory_space<vmem>>, vector<1x16xf32>,
      %get3A_756 = vector.shape_cast %get3A_755 : vector<1x16xf32> to vector<16xf32>
      %mul3A_757 = arith.mulf %get3A_751, %get3A_756 : vector<16xf32>
      %add3A_758 = arith.addf %add3A_746, %mul3A_757 : vector<16xf32>
      %get3A_759 = arith.constant 57 : i32
      %get3A_760 = arith.index_cast %get3A_759 : i32 to index
      %get3A_761 = arith.index_cast %mul3A_74 : i32 to index
      %get3A_762 = tpu.vector_load %arg4[%get3A_760, %get3A_761] {strides = array<i32>} : memref<64x256xf32, #tpu.memory_space<vmem>>, vector<1x16xf32>,
      %get3A_763 = vector.shape_cast %get3A_762 : vector<1x16xf32> to vector<16xf32>
      %get3A_764 = arith.constant 57 : i32
      %get3A_765 = arith.index_cast %get3A_764 : i32 to index
      %get3A_766 = arith.index_cast %mul3A_74 : i32 to index
      %get3A_767 = tpu.vector_load %arg5[%get3A_765, %get3A_766] {strides = array<i32>} : memref<64x256xf32, #tpu.memory_space<vmem>>, vector<1x16xf32>,
      %get3A_768 = vector.shape_cast %get3A_767 : vector<1x16xf32> to vector<16xf32>
      %mul3A_769 = arith.mulf %get3A_763, %get3A_768 : vector<16xf32>
      %add3A_770 = arith.addf %add3A_758, %mul3A_769 : vector<16xf32>
      %get3A_771 = arith.constant 58 : i32
      %get3A_772 = arith.index_cast %get3A_771 : i32 to index
      %get3A_773 = arith.index_cast %mul3A_74 : i32 to index
      %get3A_774 = tpu.vector_load %arg4[%get3A_772, %get3A_773] {strides = array<i32>} : memref<64x256xf32, #tpu.memory_space<vmem>>, vector<1x16xf32>,
      %get3A_775 = vector.shape_cast %get3A_774 : vector<1x16xf32> to vector<16xf32>
      %get3A_776 = arith.constant 58 : i32
      %get3A_777 = arith.index_cast %get3A_776 : i32 to index
      %get3A_778 = arith.index_cast %mul3A_74 : i32 to index
      %get3A_779 = tpu.vector_load %arg5[%get3A_777, %get3A_778] {strides = array<i32>} : memref<64x256xf32, #tpu.memory_space<vmem>>, vector<1x16xf32>,
      %get3A_780 = vector.shape_cast %get3A_779 : vector<1x16xf32> to vector<16xf32>
      %mul3A_781 = arith.mulf %get3A_775, %get3A_780 : vector<16xf32>
      %add3A_782 = arith.addf %add3A_770, %mul3A_781 : vector<16xf32>
      %get3A_783 = arith.constant 59 : i32
      %get3A_784 = arith.index_cast %get3A_783 : i32 to index
      %get3A_785 = arith.index_cast %mul3A_74 : i32 to index
      %get3A_786 = tpu.vector_load %arg4[%get3A_784, %get3A_785] {strides = array<i32>} : memref<64x256xf32, #tpu.memory_space<vmem>>, vector<1x16xf32>,
      %get3A_787 = vector.shape_cast %get3A_786 : vector<1x16xf32> to vector<16xf32>
      %get3A_788 = arith.constant 59 : i32
      %get3A_789 = arith.index_cast %get3A_788 : i32 to index
      %get3A_790 = arith.index_cast %mul3A_74 : i32 to index
      %get3A_791 = tpu.vector_load %arg5[%get3A_789, %get3A_790] {strides = array<i32>} : memref<64x256xf32, #tpu.memory_space<vmem>>, vector<1x16xf32>,
      %get3A_792 = vector.shape_cast %get3A_791 : vector<1x16xf32> to vector<16xf32>
      %mul3A_793 = arith.mulf %get3A_787, %get3A_792 : vector<16xf32>
      %add3A_794 = arith.addf %add3A_782, %mul3A_793 : vector<16xf32>
      %get3A_795 = arith.constant 60 : i32
      %get3A_796 = arith.index_cast %get3A_795 : i32 to index
      %get3A_797 = arith.index_cast %mul3A_74 : i32 to index
      %get3A_798 = tpu.vector_load %arg4[%get3A_796, %get3A_797] {strides = array<i32>} : memref<64x256xf32, #tpu.memory_space<vmem>>, vector<1x16xf32>,
      %get3A_799 = vector.shape_cast %get3A_798 : vector<1x16xf32> to vector<16xf32>
      %get3A_800 = arith.constant 60 : i32
      %get3A_801 = arith.index_cast %get3A_800 : i32 to index
      %get3A_802 = arith.index_cast %mul3A_74 : i32 to index
      %get3A_803 = tpu.vector_load %arg5[%get3A_801, %get3A_802] {strides = array<i32>} : memref<64x256xf32, #tpu.memory_space<vmem>>, vector<1x16xf32>,
      %get3A_804 = vector.shape_cast %get3A_803 : vector<1x16xf32> to vector<16xf32>
      %mul3A_805 = arith.mulf %get3A_799, %get3A_804 : vector<16xf32>
      %add3A_806 = arith.addf %add3A_794, %mul3A_805 : vector<16xf32>
      %get3A_807 = arith.constant 61 : i32
      %get3A_808 = arith.index_cast %get3A_807 : i32 to index
      %get3A_809 = arith.index_cast %mul3A_74 : i32 to index
      %get3A_810 = tpu.vector_load %arg4[%get3A_808, %get3A_809] {strides = array<i32>} : memref<64x256xf32, #tpu.memory_space<vmem>>, vector<1x16xf32>,
      %get3A_811 = vector.shape_cast %get3A_810 : vector<1x16xf32> to vector<16xf32>
      %get3A_812 = arith.constant 61 : i32
      %get3A_813 = arith.index_cast %get3A_812 : i32 to index
      %get3A_814 = arith.index_cast %mul3A_74 : i32 to index
      %get3A_815 = tpu.vector_load %arg5[%get3A_813, %get3A_814] {strides = array<i32>} : memref<64x256xf32, #tpu.memory_space<vmem>>, vector<1x16xf32>,
      %get3A_816 = vector.shape_cast %get3A_815 : vector<1x16xf32> to vector<16xf32>
      %mul3A_817 = arith.mulf %get3A_811, %get3A_816 : vector<16xf32>
      %add3A_818 = arith.addf %add3A_806, %mul3A_817 : vector<16xf32>
      %get3A_819 = arith.constant 62 : i32
      %get3A_820 = arith.index_cast %get3A_819 : i32 to index
      %get3A_821 = arith.index_cast %mul3A_74 : i32 to index
      %get3A_822 = tpu.vector_load %arg4[%get3A_820, %get3A_821] {strides = array<i32>} : memref<64x256xf32, #tpu.memory_space<vmem>>, vector<1x16xf32>,
      %get3A_823 = vector.shape_cast %get3A_822 : vector<1x16xf32> to vector<16xf32>
      %get3A_824 = arith.constant 62 : i32
      %get3A_825 = arith.index_cast %get3A_824 : i32 to index
      %get3A_826 = arith.index_cast %mul3A_74 : i32 to index
      %get3A_827 = tpu.vector_load %arg5[%get3A_825, %get3A_826] {strides = array<i32>} : memref<64x256xf32, #tpu.memory_space<vmem>>, vector<1x16xf32>,
      %get3A_828 = vector.shape_cast %get3A_827 : vector<1x16xf32> to vector<16xf32>
      %mul3A_829 = arith.mulf %get3A_823, %get3A_828 : vector<16xf32>
      %add3A_830 = arith.addf %add3A_818, %mul3A_829 : vector<16xf32>
      %get3A_831 = arith.constant 63 : i32
      %get3A_832 = arith.index_cast %get3A_831 : i32 to index
      %get3A_833 = arith.index_cast %mul3A_74 : i32 to index
      %get3A_834 = tpu.vector_load %arg4[%get3A_832, %get3A_833] {strides = array<i32>} : memref<64x256xf32, #tpu.memory_space<vmem>>, vector<1x16xf32>,
      %get3A_835 = vector.shape_cast %get3A_834 : vector<1x16xf32> to vector<16xf32>
      %get3A_836 = arith.constant 63 : i32
      %get3A_837 = arith.index_cast %get3A_836 : i32 to index
      %get3A_838 = arith.index_cast %mul3A_74 : i32 to index
      %get3A_839 = tpu.vector_load %arg5[%get3A_837, %get3A_838] {strides = array<i32>} : memref<64x256xf32, #tpu.memory_space<vmem>>, vector<1x16xf32>,
      %get3A_840 = vector.shape_cast %get3A_839 : vector<1x16xf32> to vector<16xf32>
      %mul3A_841 = arith.mulf %get3A_835, %get3A_840 : vector<16xf32>
      %add3A_842 = arith.addf %add3A_830, %mul3A_841 : vector<16xf32>
      %add3A_843 = arith.constant 0 : i32
      %add3A_844 = arith.addi %add3A_843, %mul3A_74 : i32
      %swap3A = arith.index_cast %add3A_844 : i32 to index
      %swap3A_845 = tpu.vector_load %arg8[%swap3A] {strides = array<i32>} : memref<512xf32, #tpu.memory_space<vmem>>, vector<16xf32>,
      %swap3A_846 = vector.shape_cast %swap3A_845 : vector<16xf32> to vector<16xf32>
      %swap3A_847 = vector.shape_cast %add3A_842 : vector<16xf32> to vector<16xf32>
      tpu.vector_store %arg8[%swap3A], %swap3A_847 {strides = array<i32>} : memref<512xf32, #tpu.memory_space<vmem>>, vector<16xf32>,
    }
    %scan3A_51 = arith.constant 16 : i32
    %dma_wait3A_52 = arith.constant 0 : i32
    %dma_wait3A_53 = arith.constant 0 : i32
    %dma_wait3A_54 = tpu.memref_slice %arg2[%dma_wait3A_52, %dma_wait3A_53, %add3A_4] : memref<2x64x16384xf32, #tpu.memory_space<hbm>> -> memref<1x64x256xf32, #tpu.memory_space<hbm>>
    %dma_wait3A_55 = tpu.memref_squeeze %dma_wait3A_54 : memref<1x64x256xf32, #tpu.memory_space<hbm>> -> memref<64x256xf32, #tpu.memory_space<hbm>>
    %dma_wait3A_56 = arith.constant 0 : i32
    %dma_wait3A_57 = tpu.memref_slice %arg2[%dma_wait3A_52, %dma_wait3A_56, %add3A_4] : memref<2x64x16384xf32, #tpu.memory_space<hbm>> -> memref<1x64x256xf32, #tpu.memory_space<hbm>>
    %dma_wait3A_58 = tpu.memref_squeeze %dma_wait3A_57 : memref<1x64x256xf32, #tpu.memory_space<hbm>> -> memref<64x256xf32, #tpu.memory_space<hbm>>
    tpu.wait_dma2 semaphore(%arg10 : memref<!tpu.dma_semaphore, #tpu.memory_space<semaphore_mem>>) src(%dma_wait3A_58 : memref<64x256xf32, #tpu.memory_space<hbm>>) dst(%arg6 : memref<64x256xf32, #tpu.memory_space<vmem>>)
    %dma_wait3A_59 = arith.constant 1 : i32
    %dma_wait3A_60 = arith.constant 0 : i32
    %dma_wait3A_61 = tpu.memref_slice %arg2[%dma_wait3A_59, %dma_wait3A_60, %add3A_6] : memref<2x64x16384xf32, #tpu.memory_space<hbm>> -> memref<1x64x256xf32, #tpu.memory_space<hbm>>
    %dma_wait3A_62 = tpu.memref_squeeze %dma_wait3A_61 : memref<1x64x256xf32, #tpu.memory_space<hbm>> -> memref<64x256xf32, #tpu.memory_space<hbm>>
    %dma_wait3A_63 = arith.constant 0 : i32
    %dma_wait3A_64 = tpu.memref_slice %arg2[%dma_wait3A_59, %dma_wait3A_63, %add3A_6] : memref<2x64x16384xf32, #tpu.memory_space<hbm>> -> memref<1x64x256xf32, #tpu.memory_space<hbm>>
    %dma_wait3A_65 = tpu.memref_squeeze %dma_wait3A_64 : memref<1x64x256xf32, #tpu.memory_space<hbm>> -> memref<64x256xf32, #tpu.memory_space<hbm>>
    tpu.wait_dma2 semaphore(%arg10 : memref<!tpu.dma_semaphore, #tpu.memory_space<semaphore_mem>>) src(%dma_wait3A_65 : memref<64x256xf32, #tpu.memory_space<hbm>>) dst(%arg7 : memref<64x256xf32, #tpu.memory_space<vmem>>)
    %scan3A_66 = arith.constant 0 : i32
    %scan3A_67 = arith.constant 0 : i32
    %scan3A_68 = arith.constant 16 : i32
    %scan3A_69 = arith.addi %scan3A_67, %scan3A_68 : i32
    %scan3A_70 = arith.constant 1 : i32
    scf.for %scan3A_72 = %scan3A_67 to %scan3A_69 step %scan3A_70  : i32 {
      %mul3A_73 = arith.constant 16 : i32
      %mul3A_74 = arith.muli %scan3A_72, %mul3A_73 : i32
      %broadcast_in_dim3A = arith.constant 0.000000e+00 : f32
      %broadcast_in_dim3A_75 = vector.broadcast %broadcast_in_dim3A : f32 to vector<16xf32>
      %get3A = arith.constant 0 : i32
      %get3A_76 = arith.index_cast %get3A : i32 to index
      %get3A_77 = arith.index_cast %mul3A_74 : i32 to index
      %get3A_78 = tpu.vector_load %arg6[%get3A_76, %get3A_77] {strides = array<i32>} : memref<64x256xf32, #tpu.memory_space<vmem>>, vector<1x16xf32>,
      %get3A_79 = vector.shape_cast %get3A_78 : vector<1x16xf32> to vector<16xf32>
      %get3A_80 = arith.constant 0 : i32
      %get3A_81 = arith.index_cast %get3A_80 : i32 to index
      %get3A_82 = arith.index_cast %mul3A_74 : i32 to index
      %get3A_83 = tpu.vector_load %arg7[%get3A_81, %get3A_82] {strides = array<i32>} : memref<64x256xf32, #tpu.memory_space<vmem>>, vector<1x16xf32>,
      %get3A_84 = vector.shape_cast %get3A_83 : vector<1x16xf32> to vector<16xf32>
      %mul3A_85 = arith.mulf %get3A_79, %get3A_84 : vector<16xf32>
      %add3A_86 = arith.addf %broadcast_in_dim3A_75, %mul3A_85 : vector<16xf32>
      %get3A_87 = arith.constant 1 : i32
      %get3A_88 = arith.index_cast %get3A_87 : i32 to index
      %get3A_89 = arith.index_cast %mul3A_74 : i32 to index
      %get3A_90 = tpu.vector_load %arg6[%get3A_88, %get3A_89] {strides = array<i32>} : memref<64x256xf32, #tpu.memory_space<vmem>>, vector<1x16xf32>,
      %get3A_91 = vector.shape_cast %get3A_90 : vector<1x16xf32> to vector<16xf32>
      %get3A_92 = arith.constant 1 : i32
      %get3A_93 = arith.index_cast %get3A_92 : i32 to index
      %get3A_94 = arith.index_cast %mul3A_74 : i32 to index
      %get3A_95 = tpu.vector_load %arg7[%get3A_93, %get3A_94] {strides = array<i32>} : memref<64x256xf32, #tpu.memory_space<vmem>>, vector<1x16xf32>,
      %get3A_96 = vector.shape_cast %get3A_95 : vector<1x16xf32> to vector<16xf32>
      %mul3A_97 = arith.mulf %get3A_91, %get3A_96 : vector<16xf32>
      %add3A_98 = arith.addf %add3A_86, %mul3A_97 : vector<16xf32>
      %get3A_99 = arith.constant 2 : i32
      %get3A_100 = arith.index_cast %get3A_99 : i32 to index
      %get3A_101 = arith.index_cast %mul3A_74 : i32 to index
      %get3A_102 = tpu.vector_load %arg6[%get3A_100, %get3A_101] {strides = array<i32>} : memref<64x256xf32, #tpu.memory_space<vmem>>, vector<1x16xf32>,
      %get3A_103 = vector.shape_cast %get3A_102 : vector<1x16xf32> to vector<16xf32>
      %get3A_104 = arith.constant 2 : i32
      %get3A_105 = arith.index_cast %get3A_104 : i32 to index
      %get3A_106 = arith.index_cast %mul3A_74 : i32 to index
      %get3A_107 = tpu.vector_load %arg7[%get3A_105, %get3A_106] {strides = array<i32>} : memref<64x256xf32, #tpu.memory_space<vmem>>, vector<1x16xf32>,
      %get3A_108 = vector.shape_cast %get3A_107 : vector<1x16xf32> to vector<16xf32>
      %mul3A_109 = arith.mulf %get3A_103, %get3A_108 : vector<16xf32>
      %add3A_110 = arith.addf %add3A_98, %mul3A_109 : vector<16xf32>
      %get3A_111 = arith.constant 3 : i32
      %get3A_112 = arith.index_cast %get3A_111 : i32 to index
      %get3A_113 = arith.index_cast %mul3A_74 : i32 to index
      %get3A_114 = tpu.vector_load %arg6[%get3A_112, %get3A_113] {strides = array<i32>} : memref<64x256xf32, #tpu.memory_space<vmem>>, vector<1x16xf32>,
      %get3A_115 = vector.shape_cast %get3A_114 : vector<1x16xf32> to vector<16xf32>
      %get3A_116 = arith.constant 3 : i32
      %get3A_117 = arith.index_cast %get3A_116 : i32 to index
      %get3A_118 = arith.index_cast %mul3A_74 : i32 to index
      %get3A_119 = tpu.vector_load %arg7[%get3A_117, %get3A_118] {strides = array<i32>} : memref<64x256xf32, #tpu.memory_space<vmem>>, vector<1x16xf32>,
      %get3A_120 = vector.shape_cast %get3A_119 : vector<1x16xf32> to vector<16xf32>
      %mul3A_121 = arith.mulf %get3A_115, %get3A_120 : vector<16xf32>
      %add3A_122 = arith.addf %add3A_110, %mul3A_121 : vector<16xf32>
      %get3A_123 = arith.constant 4 : i32
      %get3A_124 = arith.index_cast %get3A_123 : i32 to index
      %get3A_125 = arith.index_cast %mul3A_74 : i32 to index
      %get3A_126 = tpu.vector_load %arg6[%get3A_124, %get3A_125] {strides = array<i32>} : memref<64x256xf32, #tpu.memory_space<vmem>>, vector<1x16xf32>,
      %get3A_127 = vector.shape_cast %get3A_126 : vector<1x16xf32> to vector<16xf32>
      %get3A_128 = arith.constant 4 : i32
      %get3A_129 = arith.index_cast %get3A_128 : i32 to index
      %get3A_130 = arith.index_cast %mul3A_74 : i32 to index
      %get3A_131 = tpu.vector_load %arg7[%get3A_129, %get3A_130] {strides = array<i32>} : memref<64x256xf32, #tpu.memory_space<vmem>>, vector<1x16xf32>,
      %get3A_132 = vector.shape_cast %get3A_131 : vector<1x16xf32> to vector<16xf32>
      %mul3A_133 = arith.mulf %get3A_127, %get3A_132 : vector<16xf32>
      %add3A_134 = arith.addf %add3A_122, %mul3A_133 : vector<16xf32>
      %get3A_135 = arith.constant 5 : i32
      %get3A_136 = arith.index_cast %get3A_135 : i32 to index
      %get3A_137 = arith.index_cast %mul3A_74 : i32 to index
      %get3A_138 = tpu.vector_load %arg6[%get3A_136, %get3A_137] {strides = array<i32>} : memref<64x256xf32, #tpu.memory_space<vmem>>, vector<1x16xf32>,
      %get3A_139 = vector.shape_cast %get3A_138 : vector<1x16xf32> to vector<16xf32>
      %get3A_140 = arith.constant 5 : i32
      %get3A_141 = arith.index_cast %get3A_140 : i32 to index
      %get3A_142 = arith.index_cast %mul3A_74 : i32 to index
      %get3A_143 = tpu.vector_load %arg7[%get3A_141, %get3A_142] {strides = array<i32>} : memref<64x256xf32, #tpu.memory_space<vmem>>, vector<1x16xf32>,
      %get3A_144 = vector.shape_cast %get3A_143 : vector<1x16xf32> to vector<16xf32>
      %mul3A_145 = arith.mulf %get3A_139, %get3A_144 : vector<16xf32>
      %add3A_146 = arith.addf %add3A_134, %mul3A_145 : vector<16xf32>
      %get3A_147 = arith.constant 6 : i32
      %get3A_148 = arith.index_cast %get3A_147 : i32 to index
      %get3A_149 = arith.index_cast %mul3A_74 : i32 to index
      %get3A_150 = tpu.vector_load %arg6[%get3A_148, %get3A_149] {strides = array<i32>} : memref<64x256xf32, #tpu.memory_space<vmem>>, vector<1x16xf32>,
      %get3A_151 = vector.shape_cast %get3A_150 : vector<1x16xf32> to vector<16xf32>
      %get3A_152 = arith.constant 6 : i32
      %get3A_153 = arith.index_cast %get3A_152 : i32 to index
      %get3A_154 = arith.index_cast %mul3A_74 : i32 to index
      %get3A_155 = tpu.vector_load %arg7[%get3A_153, %get3A_154] {strides = array<i32>} : memref<64x256xf32, #tpu.memory_space<vmem>>, vector<1x16xf32>,
      %get3A_156 = vector.shape_cast %get3A_155 : vector<1x16xf32> to vector<16xf32>
      %mul3A_157 = arith.mulf %get3A_151, %get3A_156 : vector<16xf32>
      %add3A_158 = arith.addf %add3A_146, %mul3A_157 : vector<16xf32>
      %get3A_159 = arith.constant 7 : i32
      %get3A_160 = arith.index_cast %get3A_159 : i32 to index
      %get3A_161 = arith.index_cast %mul3A_74 : i32 to index
      %get3A_162 = tpu.vector_load %arg6[%get3A_160, %get3A_161] {strides = array<i32>} : memref<64x256xf32, #tpu.memory_space<vmem>>, vector<1x16xf32>,
      %get3A_163 = vector.shape_cast %get3A_162 : vector<1x16xf32> to vector<16xf32>
      %get3A_164 = arith.constant 7 : i32
      %get3A_165 = arith.index_cast %get3A_164 : i32 to index
      %get3A_166 = arith.index_cast %mul3A_74 : i32 to index
      %get3A_167 = tpu.vector_load %arg7[%get3A_165, %get3A_166] {strides = array<i32>} : memref<64x256xf32, #tpu.memory_space<vmem>>, vector<1x16xf32>,
      %get3A_168 = vector.shape_cast %get3A_167 : vector<1x16xf32> to vector<16xf32>
      %mul3A_169 = arith.mulf %get3A_163, %get3A_168 : vector<16xf32>
      %add3A_170 = arith.addf %add3A_158, %mul3A_169 : vector<16xf32>
      %get3A_171 = arith.constant 8 : i32
      %get3A_172 = arith.index_cast %get3A_171 : i32 to index
      %get3A_173 = arith.index_cast %mul3A_74 : i32 to index
      %get3A_174 = tpu.vector_load %arg6[%get3A_172, %get3A_173] {strides = array<i32>} : memref<64x256xf32, #tpu.memory_space<vmem>>, vector<1x16xf32>,
      %get3A_175 = vector.shape_cast %get3A_174 : vector<1x16xf32> to vector<16xf32>
      %get3A_176 = arith.constant 8 : i32
      %get3A_177 = arith.index_cast %get3A_176 : i32 to index
      %get3A_178 = arith.index_cast %mul3A_74 : i32 to index
      %get3A_179 = tpu.vector_load %arg7[%get3A_177, %get3A_178] {strides = array<i32>} : memref<64x256xf32, #tpu.memory_space<vmem>>, vector<1x16xf32>,
      %get3A_180 = vector.shape_cast %get3A_179 : vector<1x16xf32> to vector<16xf32>
      %mul3A_181 = arith.mulf %get3A_175, %get3A_180 : vector<16xf32>
      %add3A_182 = arith.addf %add3A_170, %mul3A_181 : vector<16xf32>
      %get3A_183 = arith.constant 9 : i32
      %get3A_184 = arith.index_cast %get3A_183 : i32 to index
      %get3A_185 = arith.index_cast %mul3A_74 : i32 to index
      %get3A_186 = tpu.vector_load %arg6[%get3A_184, %get3A_185] {strides = array<i32>} : memref<64x256xf32, #tpu.memory_space<vmem>>, vector<1x16xf32>,
      %get3A_187 = vector.shape_cast %get3A_186 : vector<1x16xf32> to vector<16xf32>
      %get3A_188 = arith.constant 9 : i32
      %get3A_189 = arith.index_cast %get3A_188 : i32 to index
      %get3A_190 = arith.index_cast %mul3A_74 : i32 to index
      %get3A_191 = tpu.vector_load %arg7[%get3A_189, %get3A_190] {strides = array<i32>} : memref<64x256xf32, #tpu.memory_space<vmem>>, vector<1x16xf32>,
      %get3A_192 = vector.shape_cast %get3A_191 : vector<1x16xf32> to vector<16xf32>
      %mul3A_193 = arith.mulf %get3A_187, %get3A_192 : vector<16xf32>
      %add3A_194 = arith.addf %add3A_182, %mul3A_193 : vector<16xf32>
      %get3A_195 = arith.constant 10 : i32
      %get3A_196 = arith.index_cast %get3A_195 : i32 to index
      %get3A_197 = arith.index_cast %mul3A_74 : i32 to index
      %get3A_198 = tpu.vector_load %arg6[%get3A_196, %get3A_197] {strides = array<i32>} : memref<64x256xf32, #tpu.memory_space<vmem>>, vector<1x16xf32>,
      %get3A_199 = vector.shape_cast %get3A_198 : vector<1x16xf32> to vector<16xf32>
      %get3A_200 = arith.constant 10 : i32
      %get3A_201 = arith.index_cast %get3A_200 : i32 to index
      %get3A_202 = arith.index_cast %mul3A_74 : i32 to index
      %get3A_203 = tpu.vector_load %arg7[%get3A_201, %get3A_202] {strides = array<i32>} : memref<64x256xf32, #tpu.memory_space<vmem>>, vector<1x16xf32>,
      %get3A_204 = vector.shape_cast %get3A_203 : vector<1x16xf32> to vector<16xf32>
      %mul3A_205 = arith.mulf %get3A_199, %get3A_204 : vector<16xf32>
      %add3A_206 = arith.addf %add3A_194, %mul3A_205 : vector<16xf32>
      %get3A_207 = arith.constant 11 : i32
      %get3A_208 = arith.index_cast %get3A_207 : i32 to index
      %get3A_209 = arith.index_cast %mul3A_74 : i32 to index
      %get3A_210 = tpu.vector_load %arg6[%get3A_208, %get3A_209] {strides = array<i32>} : memref<64x256xf32, #tpu.memory_space<vmem>>, vector<1x16xf32>,
      %get3A_211 = vector.shape_cast %get3A_210 : vector<1x16xf32> to vector<16xf32>
      %get3A_212 = arith.constant 11 : i32
      %get3A_213 = arith.index_cast %get3A_212 : i32 to index
      %get3A_214 = arith.index_cast %mul3A_74 : i32 to index
      %get3A_215 = tpu.vector_load %arg7[%get3A_213, %get3A_214] {strides = array<i32>} : memref<64x256xf32, #tpu.memory_space<vmem>>, vector<1x16xf32>,
      %get3A_216 = vector.shape_cast %get3A_215 : vector<1x16xf32> to vector<16xf32>
      %mul3A_217 = arith.mulf %get3A_211, %get3A_216 : vector<16xf32>
      %add3A_218 = arith.addf %add3A_206, %mul3A_217 : vector<16xf32>
      %get3A_219 = arith.constant 12 : i32
      %get3A_220 = arith.index_cast %get3A_219 : i32 to index
      %get3A_221 = arith.index_cast %mul3A_74 : i32 to index
      %get3A_222 = tpu.vector_load %arg6[%get3A_220, %get3A_221] {strides = array<i32>} : memref<64x256xf32, #tpu.memory_space<vmem>>, vector<1x16xf32>,
      %get3A_223 = vector.shape_cast %get3A_222 : vector<1x16xf32> to vector<16xf32>
      %get3A_224 = arith.constant 12 : i32
      %get3A_225 = arith.index_cast %get3A_224 : i32 to index
      %get3A_226 = arith.index_cast %mul3A_74 : i32 to index
      %get3A_227 = tpu.vector_load %arg7[%get3A_225, %get3A_226] {strides = array<i32>} : memref<64x256xf32, #tpu.memory_space<vmem>>, vector<1x16xf32>,
      %get3A_228 = vector.shape_cast %get3A_227 : vector<1x16xf32> to vector<16xf32>
      %mul3A_229 = arith.mulf %get3A_223, %get3A_228 : vector<16xf32>
      %add3A_230 = arith.addf %add3A_218, %mul3A_229 : vector<16xf32>
      %get3A_231 = arith.constant 13 : i32
      %get3A_232 = arith.index_cast %get3A_231 : i32 to index
      %get3A_233 = arith.index_cast %mul3A_74 : i32 to index
      %get3A_234 = tpu.vector_load %arg6[%get3A_232, %get3A_233] {strides = array<i32>} : memref<64x256xf32, #tpu.memory_space<vmem>>, vector<1x16xf32>,
      %get3A_235 = vector.shape_cast %get3A_234 : vector<1x16xf32> to vector<16xf32>
      %get3A_236 = arith.constant 13 : i32
      %get3A_237 = arith.index_cast %get3A_236 : i32 to index
      %get3A_238 = arith.index_cast %mul3A_74 : i32 to index
      %get3A_239 = tpu.vector_load %arg7[%get3A_237, %get3A_238] {strides = array<i32>} : memref<64x256xf32, #tpu.memory_space<vmem>>, vector<1x16xf32>,
      %get3A_240 = vector.shape_cast %get3A_239 : vector<1x16xf32> to vector<16xf32>
      %mul3A_241 = arith.mulf %get3A_235, %get3A_240 : vector<16xf32>
      %add3A_242 = arith.addf %add3A_230, %mul3A_241 : vector<16xf32>
      %get3A_243 = arith.constant 14 : i32
      %get3A_244 = arith.index_cast %get3A_243 : i32 to index
      %get3A_245 = arith.index_cast %mul3A_74 : i32 to index
      %get3A_246 = tpu.vector_load %arg6[%get3A_244, %get3A_245] {strides = array<i32>} : memref<64x256xf32, #tpu.memory_space<vmem>>, vector<1x16xf32>,
      %get3A_247 = vector.shape_cast %get3A_246 : vector<1x16xf32> to vector<16xf32>
      %get3A_248 = arith.constant 14 : i32
      %get3A_249 = arith.index_cast %get3A_248 : i32 to index
      %get3A_250 = arith.index_cast %mul3A_74 : i32 to index
      %get3A_251 = tpu.vector_load %arg7[%get3A_249, %get3A_250] {strides = array<i32>} : memref<64x256xf32, #tpu.memory_space<vmem>>, vector<1x16xf32>,
      %get3A_252 = vector.shape_cast %get3A_251 : vector<1x16xf32> to vector<16xf32>
      %mul3A_253 = arith.mulf %get3A_247, %get3A_252 : vector<16xf32>
      %add3A_254 = arith.addf %add3A_242, %mul3A_253 : vector<16xf32>
      %get3A_255 = arith.constant 15 : i32
      %get3A_256 = arith.index_cast %get3A_255 : i32 to index
      %get3A_257 = arith.index_cast %mul3A_74 : i32 to index
      %get3A_258 = tpu.vector_load %arg6[%get3A_256, %get3A_257] {strides = array<i32>} : memref<64x256xf32, #tpu.memory_space<vmem>>, vector<1x16xf32>,
      %get3A_259 = vector.shape_cast %get3A_258 : vector<1x16xf32> to vector<16xf32>
      %get3A_260 = arith.constant 15 : i32
      %get3A_261 = arith.index_cast %get3A_260 : i32 to index
      %get3A_262 = arith.index_cast %mul3A_74 : i32 to index
      %get3A_263 = tpu.vector_load %arg7[%get3A_261, %get3A_262] {strides = array<i32>} : memref<64x256xf32, #tpu.memory_space<vmem>>, vector<1x16xf32>,
      %get3A_264 = vector.shape_cast %get3A_263 : vector<1x16xf32> to vector<16xf32>
      %mul3A_265 = arith.mulf %get3A_259, %get3A_264 : vector<16xf32>
      %add3A_266 = arith.addf %add3A_254, %mul3A_265 : vector<16xf32>
      %get3A_267 = arith.constant 16 : i32
      %get3A_268 = arith.index_cast %get3A_267 : i32 to index
      %get3A_269 = arith.index_cast %mul3A_74 : i32 to index
      %get3A_270 = tpu.vector_load %arg6[%get3A_268, %get3A_269] {strides = array<i32>} : memref<64x256xf32, #tpu.memory_space<vmem>>, vector<1x16xf32>,
      %get3A_271 = vector.shape_cast %get3A_270 : vector<1x16xf32> to vector<16xf32>
      %get3A_272 = arith.constant 16 : i32
      %get3A_273 = arith.index_cast %get3A_272 : i32 to index
      %get3A_274 = arith.index_cast %mul3A_74 : i32 to index
      %get3A_275 = tpu.vector_load %arg7[%get3A_273, %get3A_274] {strides = array<i32>} : memref<64x256xf32, #tpu.memory_space<vmem>>, vector<1x16xf32>,
      %get3A_276 = vector.shape_cast %get3A_275 : vector<1x16xf32> to vector<16xf32>
      %mul3A_277 = arith.mulf %get3A_271, %get3A_276 : vector<16xf32>
      %add3A_278 = arith.addf %add3A_266, %mul3A_277 : vector<16xf32>
      %get3A_279 = arith.constant 17 : i32
      %get3A_280 = arith.index_cast %get3A_279 : i32 to index
      %get3A_281 = arith.index_cast %mul3A_74 : i32 to index
      %get3A_282 = tpu.vector_load %arg6[%get3A_280, %get3A_281] {strides = array<i32>} : memref<64x256xf32, #tpu.memory_space<vmem>>, vector<1x16xf32>,
      %get3A_283 = vector.shape_cast %get3A_282 : vector<1x16xf32> to vector<16xf32>
      %get3A_284 = arith.constant 17 : i32
      %get3A_285 = arith.index_cast %get3A_284 : i32 to index
      %get3A_286 = arith.index_cast %mul3A_74 : i32 to index
      %get3A_287 = tpu.vector_load %arg7[%get3A_285, %get3A_286] {strides = array<i32>} : memref<64x256xf32, #tpu.memory_space<vmem>>, vector<1x16xf32>,
      %get3A_288 = vector.shape_cast %get3A_287 : vector<1x16xf32> to vector<16xf32>
      %mul3A_289 = arith.mulf %get3A_283, %get3A_288 : vector<16xf32>
      %add3A_290 = arith.addf %add3A_278, %mul3A_289 : vector<16xf32>
      %get3A_291 = arith.constant 18 : i32
      %get3A_292 = arith.index_cast %get3A_291 : i32 to index
      %get3A_293 = arith.index_cast %mul3A_74 : i32 to index
      %get3A_294 = tpu.vector_load %arg6[%get3A_292, %get3A_293] {strides = array<i32>} : memref<64x256xf32, #tpu.memory_space<vmem>>, vector<1x16xf32>,
      %get3A_295 = vector.shape_cast %get3A_294 : vector<1x16xf32> to vector<16xf32>
      %get3A_296 = arith.constant 18 : i32
      %get3A_297 = arith.index_cast %get3A_296 : i32 to index
      %get3A_298 = arith.index_cast %mul3A_74 : i32 to index
      %get3A_299 = tpu.vector_load %arg7[%get3A_297, %get3A_298] {strides = array<i32>} : memref<64x256xf32, #tpu.memory_space<vmem>>, vector<1x16xf32>,
      %get3A_300 = vector.shape_cast %get3A_299 : vector<1x16xf32> to vector<16xf32>
      %mul3A_301 = arith.mulf %get3A_295, %get3A_300 : vector<16xf32>
      %add3A_302 = arith.addf %add3A_290, %mul3A_301 : vector<16xf32>
      %get3A_303 = arith.constant 19 : i32
      %get3A_304 = arith.index_cast %get3A_303 : i32 to index
      %get3A_305 = arith.index_cast %mul3A_74 : i32 to index
      %get3A_306 = tpu.vector_load %arg6[%get3A_304, %get3A_305] {strides = array<i32>} : memref<64x256xf32, #tpu.memory_space<vmem>>, vector<1x16xf32>,
      %get3A_307 = vector.shape_cast %get3A_306 : vector<1x16xf32> to vector<16xf32>
      %get3A_308 = arith.constant 19 : i32
      %get3A_309 = arith.index_cast %get3A_308 : i32 to index
      %get3A_310 = arith.index_cast %mul3A_74 : i32 to index
      %get3A_311 = tpu.vector_load %arg7[%get3A_309, %get3A_310] {strides = array<i32>} : memref<64x256xf32, #tpu.memory_space<vmem>>, vector<1x16xf32>,
      %get3A_312 = vector.shape_cast %get3A_311 : vector<1x16xf32> to vector<16xf32>
      %mul3A_313 = arith.mulf %get3A_307, %get3A_312 : vector<16xf32>
      %add3A_314 = arith.addf %add3A_302, %mul3A_313 : vector<16xf32>
      %get3A_315 = arith.constant 20 : i32
      %get3A_316 = arith.index_cast %get3A_315 : i32 to index
      %get3A_317 = arith.index_cast %mul3A_74 : i32 to index
      %get3A_318 = tpu.vector_load %arg6[%get3A_316, %get3A_317] {strides = array<i32>} : memref<64x256xf32, #tpu.memory_space<vmem>>, vector<1x16xf32>,
      %get3A_319 = vector.shape_cast %get3A_318 : vector<1x16xf32> to vector<16xf32>
      %get3A_320 = arith.constant 20 : i32
      %get3A_321 = arith.index_cast %get3A_320 : i32 to index
      %get3A_322 = arith.index_cast %mul3A_74 : i32 to index
      %get3A_323 = tpu.vector_load %arg7[%get3A_321, %get3A_322] {strides = array<i32>} : memref<64x256xf32, #tpu.memory_space<vmem>>, vector<1x16xf32>,
      %get3A_324 = vector.shape_cast %get3A_323 : vector<1x16xf32> to vector<16xf32>
      %mul3A_325 = arith.mulf %get3A_319, %get3A_324 : vector<16xf32>
      %add3A_326 = arith.addf %add3A_314, %mul3A_325 : vector<16xf32>
      %get3A_327 = arith.constant 21 : i32
      %get3A_328 = arith.index_cast %get3A_327 : i32 to index
      %get3A_329 = arith.index_cast %mul3A_74 : i32 to index
      %get3A_330 = tpu.vector_load %arg6[%get3A_328, %get3A_329] {strides = array<i32>} : memref<64x256xf32, #tpu.memory_space<vmem>>, vector<1x16xf32>,
      %get3A_331 = vector.shape_cast %get3A_330 : vector<1x16xf32> to vector<16xf32>
      %get3A_332 = arith.constant 21 : i32
      %get3A_333 = arith.index_cast %get3A_332 : i32 to index
      %get3A_334 = arith.index_cast %mul3A_74 : i32 to index
      %get3A_335 = tpu.vector_load %arg7[%get3A_333, %get3A_334] {strides = array<i32>} : memref<64x256xf32, #tpu.memory_space<vmem>>, vector<1x16xf32>,
      %get3A_336 = vector.shape_cast %get3A_335 : vector<1x16xf32> to vector<16xf32>
      %mul3A_337 = arith.mulf %get3A_331, %get3A_336 : vector<16xf32>
      %add3A_338 = arith.addf %add3A_326, %mul3A_337 : vector<16xf32>
      %get3A_339 = arith.constant 22 : i32
      %get3A_340 = arith.index_cast %get3A_339 : i32 to index
      %get3A_341 = arith.index_cast %mul3A_74 : i32 to index
      %get3A_342 = tpu.vector_load %arg6[%get3A_340, %get3A_341] {strides = array<i32>} : memref<64x256xf32, #tpu.memory_space<vmem>>, vector<1x16xf32>,
      %get3A_343 = vector.shape_cast %get3A_342 : vector<1x16xf32> to vector<16xf32>
      %get3A_344 = arith.constant 22 : i32
      %get3A_345 = arith.index_cast %get3A_344 : i32 to index
      %get3A_346 = arith.index_cast %mul3A_74 : i32 to index
      %get3A_347 = tpu.vector_load %arg7[%get3A_345, %get3A_346] {strides = array<i32>} : memref<64x256xf32, #tpu.memory_space<vmem>>, vector<1x16xf32>,
      %get3A_348 = vector.shape_cast %get3A_347 : vector<1x16xf32> to vector<16xf32>
      %mul3A_349 = arith.mulf %get3A_343, %get3A_348 : vector<16xf32>
      %add3A_350 = arith.addf %add3A_338, %mul3A_349 : vector<16xf32>
      %get3A_351 = arith.constant 23 : i32
      %get3A_352 = arith.index_cast %get3A_351 : i32 to index
      %get3A_353 = arith.index_cast %mul3A_74 : i32 to index
      %get3A_354 = tpu.vector_load %arg6[%get3A_352, %get3A_353] {strides = array<i32>} : memref<64x256xf32, #tpu.memory_space<vmem>>, vector<1x16xf32>,
      %get3A_355 = vector.shape_cast %get3A_354 : vector<1x16xf32> to vector<16xf32>
      %get3A_356 = arith.constant 23 : i32
      %get3A_357 = arith.index_cast %get3A_356 : i32 to index
      %get3A_358 = arith.index_cast %mul3A_74 : i32 to index
      %get3A_359 = tpu.vector_load %arg7[%get3A_357, %get3A_358] {strides = array<i32>} : memref<64x256xf32, #tpu.memory_space<vmem>>, vector<1x16xf32>,
      %get3A_360 = vector.shape_cast %get3A_359 : vector<1x16xf32> to vector<16xf32>
      %mul3A_361 = arith.mulf %get3A_355, %get3A_360 : vector<16xf32>
      %add3A_362 = arith.addf %add3A_350, %mul3A_361 : vector<16xf32>
      %get3A_363 = arith.constant 24 : i32
      %get3A_364 = arith.index_cast %get3A_363 : i32 to index
      %get3A_365 = arith.index_cast %mul3A_74 : i32 to index
      %get3A_366 = tpu.vector_load %arg6[%get3A_364, %get3A_365] {strides = array<i32>} : memref<64x256xf32, #tpu.memory_space<vmem>>, vector<1x16xf32>,
      %get3A_367 = vector.shape_cast %get3A_366 : vector<1x16xf32> to vector<16xf32>
      %get3A_368 = arith.constant 24 : i32
      %get3A_369 = arith.index_cast %get3A_368 : i32 to index
      %get3A_370 = arith.index_cast %mul3A_74 : i32 to index
      %get3A_371 = tpu.vector_load %arg7[%get3A_369, %get3A_370] {strides = array<i32>} : memref<64x256xf32, #tpu.memory_space<vmem>>, vector<1x16xf32>,
      %get3A_372 = vector.shape_cast %get3A_371 : vector<1x16xf32> to vector<16xf32>
      %mul3A_373 = arith.mulf %get3A_367, %get3A_372 : vector<16xf32>
      %add3A_374 = arith.addf %add3A_362, %mul3A_373 : vector<16xf32>
      %get3A_375 = arith.constant 25 : i32
      %get3A_376 = arith.index_cast %get3A_375 : i32 to index
      %get3A_377 = arith.index_cast %mul3A_74 : i32 to index
      %get3A_378 = tpu.vector_load %arg6[%get3A_376, %get3A_377] {strides = array<i32>} : memref<64x256xf32, #tpu.memory_space<vmem>>, vector<1x16xf32>,
      %get3A_379 = vector.shape_cast %get3A_378 : vector<1x16xf32> to vector<16xf32>
      %get3A_380 = arith.constant 25 : i32
      %get3A_381 = arith.index_cast %get3A_380 : i32 to index
      %get3A_382 = arith.index_cast %mul3A_74 : i32 to index
      %get3A_383 = tpu.vector_load %arg7[%get3A_381, %get3A_382] {strides = array<i32>} : memref<64x256xf32, #tpu.memory_space<vmem>>, vector<1x16xf32>,
      %get3A_384 = vector.shape_cast %get3A_383 : vector<1x16xf32> to vector<16xf32>
      %mul3A_385 = arith.mulf %get3A_379, %get3A_384 : vector<16xf32>
      %add3A_386 = arith.addf %add3A_374, %mul3A_385 : vector<16xf32>
      %get3A_387 = arith.constant 26 : i32
      %get3A_388 = arith.index_cast %get3A_387 : i32 to index
      %get3A_389 = arith.index_cast %mul3A_74 : i32 to index
      %get3A_390 = tpu.vector_load %arg6[%get3A_388, %get3A_389] {strides = array<i32>} : memref<64x256xf32, #tpu.memory_space<vmem>>, vector<1x16xf32>,
      %get3A_391 = vector.shape_cast %get3A_390 : vector<1x16xf32> to vector<16xf32>
      %get3A_392 = arith.constant 26 : i32
      %get3A_393 = arith.index_cast %get3A_392 : i32 to index
      %get3A_394 = arith.index_cast %mul3A_74 : i32 to index
      %get3A_395 = tpu.vector_load %arg7[%get3A_393, %get3A_394] {strides = array<i32>} : memref<64x256xf32, #tpu.memory_space<vmem>>, vector<1x16xf32>,
      %get3A_396 = vector.shape_cast %get3A_395 : vector<1x16xf32> to vector<16xf32>
      %mul3A_397 = arith.mulf %get3A_391, %get3A_396 : vector<16xf32>
      %add3A_398 = arith.addf %add3A_386, %mul3A_397 : vector<16xf32>
      %get3A_399 = arith.constant 27 : i32
      %get3A_400 = arith.index_cast %get3A_399 : i32 to index
      %get3A_401 = arith.index_cast %mul3A_74 : i32 to index
      %get3A_402 = tpu.vector_load %arg6[%get3A_400, %get3A_401] {strides = array<i32>} : memref<64x256xf32, #tpu.memory_space<vmem>>, vector<1x16xf32>,
      %get3A_403 = vector.shape_cast %get3A_402 : vector<1x16xf32> to vector<16xf32>
      %get3A_404 = arith.constant 27 : i32
      %get3A_405 = arith.index_cast %get3A_404 : i32 to index
      %get3A_406 = arith.index_cast %mul3A_74 : i32 to index
      %get3A_407 = tpu.vector_load %arg7[%get3A_405, %get3A_406] {strides = array<i32>} : memref<64x256xf32, #tpu.memory_space<vmem>>, vector<1x16xf32>,
      %get3A_408 = vector.shape_cast %get3A_407 : vector<1x16xf32> to vector<16xf32>
      %mul3A_409 = arith.mulf %get3A_403, %get3A_408 : vector<16xf32>
      %add3A_410 = arith.addf %add3A_398, %mul3A_409 : vector<16xf32>
      %get3A_411 = arith.constant 28 : i32
      %get3A_412 = arith.index_cast %get3A_411 : i32 to index
      %get3A_413 = arith.index_cast %mul3A_74 : i32 to index
      %get3A_414 = tpu.vector_load %arg6[%get3A_412, %get3A_413] {strides = array<i32>} : memref<64x256xf32, #tpu.memory_space<vmem>>, vector<1x16xf32>,
      %get3A_415 = vector.shape_cast %get3A_414 : vector<1x16xf32> to vector<16xf32>
      %get3A_416 = arith.constant 28 : i32
      %get3A_417 = arith.index_cast %get3A_416 : i32 to index
      %get3A_418 = arith.index_cast %mul3A_74 : i32 to index
      %get3A_419 = tpu.vector_load %arg7[%get3A_417, %get3A_418] {strides = array<i32>} : memref<64x256xf32, #tpu.memory_space<vmem>>, vector<1x16xf32>,
      %get3A_420 = vector.shape_cast %get3A_419 : vector<1x16xf32> to vector<16xf32>
      %mul3A_421 = arith.mulf %get3A_415, %get3A_420 : vector<16xf32>
      %add3A_422 = arith.addf %add3A_410, %mul3A_421 : vector<16xf32>
      %get3A_423 = arith.constant 29 : i32
      %get3A_424 = arith.index_cast %get3A_423 : i32 to index
      %get3A_425 = arith.index_cast %mul3A_74 : i32 to index
      %get3A_426 = tpu.vector_load %arg6[%get3A_424, %get3A_425] {strides = array<i32>} : memref<64x256xf32, #tpu.memory_space<vmem>>, vector<1x16xf32>,
      %get3A_427 = vector.shape_cast %get3A_426 : vector<1x16xf32> to vector<16xf32>
      %get3A_428 = arith.constant 29 : i32
      %get3A_429 = arith.index_cast %get3A_428 : i32 to index
      %get3A_430 = arith.index_cast %mul3A_74 : i32 to index
      %get3A_431 = tpu.vector_load %arg7[%get3A_429, %get3A_430] {strides = array<i32>} : memref<64x256xf32, #tpu.memory_space<vmem>>, vector<1x16xf32>,
      %get3A_432 = vector.shape_cast %get3A_431 : vector<1x16xf32> to vector<16xf32>
      %mul3A_433 = arith.mulf %get3A_427, %get3A_432 : vector<16xf32>
      %add3A_434 = arith.addf %add3A_422, %mul3A_433 : vector<16xf32>
      %get3A_435 = arith.constant 30 : i32
      %get3A_436 = arith.index_cast %get3A_435 : i32 to index
      %get3A_437 = arith.index_cast %mul3A_74 : i32 to index
      %get3A_438 = tpu.vector_load %arg6[%get3A_436, %get3A_437] {strides = array<i32>} : memref<64x256xf32, #tpu.memory_space<vmem>>, vector<1x16xf32>,
      %get3A_439 = vector.shape_cast %get3A_438 : vector<1x16xf32> to vector<16xf32>
      %get3A_440 = arith.constant 30 : i32
      %get3A_441 = arith.index_cast %get3A_440 : i32 to index
      %get3A_442 = arith.index_cast %mul3A_74 : i32 to index
      %get3A_443 = tpu.vector_load %arg7[%get3A_441, %get3A_442] {strides = array<i32>} : memref<64x256xf32, #tpu.memory_space<vmem>>, vector<1x16xf32>,
      %get3A_444 = vector.shape_cast %get3A_443 : vector<1x16xf32> to vector<16xf32>
      %mul3A_445 = arith.mulf %get3A_439, %get3A_444 : vector<16xf32>
      %add3A_446 = arith.addf %add3A_434, %mul3A_445 : vector<16xf32>
      %get3A_447 = arith.constant 31 : i32
      %get3A_448 = arith.index_cast %get3A_447 : i32 to index
      %get3A_449 = arith.index_cast %mul3A_74 : i32 to index
      %get3A_450 = tpu.vector_load %arg6[%get3A_448, %get3A_449] {strides = array<i32>} : memref<64x256xf32, #tpu.memory_space<vmem>>, vector<1x16xf32>,
      %get3A_451 = vector.shape_cast %get3A_450 : vector<1x16xf32> to vector<16xf32>
      %get3A_452 = arith.constant 31 : i32
      %get3A_453 = arith.index_cast %get3A_452 : i32 to index
      %get3A_454 = arith.index_cast %mul3A_74 : i32 to index
      %get3A_455 = tpu.vector_load %arg7[%get3A_453, %get3A_454] {strides = array<i32>} : memref<64x256xf32, #tpu.memory_space<vmem>>, vector<1x16xf32>,
      %get3A_456 = vector.shape_cast %get3A_455 : vector<1x16xf32> to vector<16xf32>
      %mul3A_457 = arith.mulf %get3A_451, %get3A_456 : vector<16xf32>
      %add3A_458 = arith.addf %add3A_446, %mul3A_457 : vector<16xf32>
      %get3A_459 = arith.constant 32 : i32
      %get3A_460 = arith.index_cast %get3A_459 : i32 to index
      %get3A_461 = arith.index_cast %mul3A_74 : i32 to index
      %get3A_462 = tpu.vector_load %arg6[%get3A_460, %get3A_461] {strides = array<i32>} : memref<64x256xf32, #tpu.memory_space<vmem>>, vector<1x16xf32>,
      %get3A_463 = vector.shape_cast %get3A_462 : vector<1x16xf32> to vector<16xf32>
      %get3A_464 = arith.constant 32 : i32
      %get3A_465 = arith.index_cast %get3A_464 : i32 to index
      %get3A_466 = arith.index_cast %mul3A_74 : i32 to index
      %get3A_467 = tpu.vector_load %arg7[%get3A_465, %get3A_466] {strides = array<i32>} : memref<64x256xf32, #tpu.memory_space<vmem>>, vector<1x16xf32>,
      %get3A_468 = vector.shape_cast %get3A_467 : vector<1x16xf32> to vector<16xf32>
      %mul3A_469 = arith.mulf %get3A_463, %get3A_468 : vector<16xf32>
      %add3A_470 = arith.addf %add3A_458, %mul3A_469 : vector<16xf32>
      %get3A_471 = arith.constant 33 : i32
      %get3A_472 = arith.index_cast %get3A_471 : i32 to index
      %get3A_473 = arith.index_cast %mul3A_74 : i32 to index
      %get3A_474 = tpu.vector_load %arg6[%get3A_472, %get3A_473] {strides = array<i32>} : memref<64x256xf32, #tpu.memory_space<vmem>>, vector<1x16xf32>,
      %get3A_475 = vector.shape_cast %get3A_474 : vector<1x16xf32> to vector<16xf32>
      %get3A_476 = arith.constant 33 : i32
      %get3A_477 = arith.index_cast %get3A_476 : i32 to index
      %get3A_478 = arith.index_cast %mul3A_74 : i32 to index
      %get3A_479 = tpu.vector_load %arg7[%get3A_477, %get3A_478] {strides = array<i32>} : memref<64x256xf32, #tpu.memory_space<vmem>>, vector<1x16xf32>,
      %get3A_480 = vector.shape_cast %get3A_479 : vector<1x16xf32> to vector<16xf32>
      %mul3A_481 = arith.mulf %get3A_475, %get3A_480 : vector<16xf32>
      %add3A_482 = arith.addf %add3A_470, %mul3A_481 : vector<16xf32>
      %get3A_483 = arith.constant 34 : i32
      %get3A_484 = arith.index_cast %get3A_483 : i32 to index
      %get3A_485 = arith.index_cast %mul3A_74 : i32 to index
      %get3A_486 = tpu.vector_load %arg6[%get3A_484, %get3A_485] {strides = array<i32>} : memref<64x256xf32, #tpu.memory_space<vmem>>, vector<1x16xf32>,
      %get3A_487 = vector.shape_cast %get3A_486 : vector<1x16xf32> to vector<16xf32>
      %get3A_488 = arith.constant 34 : i32
      %get3A_489 = arith.index_cast %get3A_488 : i32 to index
      %get3A_490 = arith.index_cast %mul3A_74 : i32 to index
      %get3A_491 = tpu.vector_load %arg7[%get3A_489, %get3A_490] {strides = array<i32>} : memref<64x256xf32, #tpu.memory_space<vmem>>, vector<1x16xf32>,
      %get3A_492 = vector.shape_cast %get3A_491 : vector<1x16xf32> to vector<16xf32>
      %mul3A_493 = arith.mulf %get3A_487, %get3A_492 : vector<16xf32>
      %add3A_494 = arith.addf %add3A_482, %mul3A_493 : vector<16xf32>
      %get3A_495 = arith.constant 35 : i32
      %get3A_496 = arith.index_cast %get3A_495 : i32 to index
      %get3A_497 = arith.index_cast %mul3A_74 : i32 to index
      %get3A_498 = tpu.vector_load %arg6[%get3A_496, %get3A_497] {strides = array<i32>} : memref<64x256xf32, #tpu.memory_space<vmem>>, vector<1x16xf32>,
      %get3A_499 = vector.shape_cast %get3A_498 : vector<1x16xf32> to vector<16xf32>
      %get3A_500 = arith.constant 35 : i32
      %get3A_501 = arith.index_cast %get3A_500 : i32 to index
      %get3A_502 = arith.index_cast %mul3A_74 : i32 to index
      %get3A_503 = tpu.vector_load %arg7[%get3A_501, %get3A_502] {strides = array<i32>} : memref<64x256xf32, #tpu.memory_space<vmem>>, vector<1x16xf32>,
      %get3A_504 = vector.shape_cast %get3A_503 : vector<1x16xf32> to vector<16xf32>
      %mul3A_505 = arith.mulf %get3A_499, %get3A_504 : vector<16xf32>
      %add3A_506 = arith.addf %add3A_494, %mul3A_505 : vector<16xf32>
      %get3A_507 = arith.constant 36 : i32
      %get3A_508 = arith.index_cast %get3A_507 : i32 to index
      %get3A_509 = arith.index_cast %mul3A_74 : i32 to index
      %get3A_510 = tpu.vector_load %arg6[%get3A_508, %get3A_509] {strides = array<i32>} : memref<64x256xf32, #tpu.memory_space<vmem>>, vector<1x16xf32>,
      %get3A_511 = vector.shape_cast %get3A_510 : vector<1x16xf32> to vector<16xf32>
      %get3A_512 = arith.constant 36 : i32
      %get3A_513 = arith.index_cast %get3A_512 : i32 to index
      %get3A_514 = arith.index_cast %mul3A_74 : i32 to index
      %get3A_515 = tpu.vector_load %arg7[%get3A_513, %get3A_514] {strides = array<i32>} : memref<64x256xf32, #tpu.memory_space<vmem>>, vector<1x16xf32>,
      %get3A_516 = vector.shape_cast %get3A_515 : vector<1x16xf32> to vector<16xf32>
      %mul3A_517 = arith.mulf %get3A_511, %get3A_516 : vector<16xf32>
      %add3A_518 = arith.addf %add3A_506, %mul3A_517 : vector<16xf32>
      %get3A_519 = arith.constant 37 : i32
      %get3A_520 = arith.index_cast %get3A_519 : i32 to index
      %get3A_521 = arith.index_cast %mul3A_74 : i32 to index
      %get3A_522 = tpu.vector_load %arg6[%get3A_520, %get3A_521] {strides = array<i32>} : memref<64x256xf32, #tpu.memory_space<vmem>>, vector<1x16xf32>,
      %get3A_523 = vector.shape_cast %get3A_522 : vector<1x16xf32> to vector<16xf32>
      %get3A_524 = arith.constant 37 : i32
      %get3A_525 = arith.index_cast %get3A_524 : i32 to index
      %get3A_526 = arith.index_cast %mul3A_74 : i32 to index
      %get3A_527 = tpu.vector_load %arg7[%get3A_525, %get3A_526] {strides = array<i32>} : memref<64x256xf32, #tpu.memory_space<vmem>>, vector<1x16xf32>,
      %get3A_528 = vector.shape_cast %get3A_527 : vector<1x16xf32> to vector<16xf32>
      %mul3A_529 = arith.mulf %get3A_523, %get3A_528 : vector<16xf32>
      %add3A_530 = arith.addf %add3A_518, %mul3A_529 : vector<16xf32>
      %get3A_531 = arith.constant 38 : i32
      %get3A_532 = arith.index_cast %get3A_531 : i32 to index
      %get3A_533 = arith.index_cast %mul3A_74 : i32 to index
      %get3A_534 = tpu.vector_load %arg6[%get3A_532, %get3A_533] {strides = array<i32>} : memref<64x256xf32, #tpu.memory_space<vmem>>, vector<1x16xf32>,
      %get3A_535 = vector.shape_cast %get3A_534 : vector<1x16xf32> to vector<16xf32>
      %get3A_536 = arith.constant 38 : i32
      %get3A_537 = arith.index_cast %get3A_536 : i32 to index
      %get3A_538 = arith.index_cast %mul3A_74 : i32 to index
      %get3A_539 = tpu.vector_load %arg7[%get3A_537, %get3A_538] {strides = array<i32>} : memref<64x256xf32, #tpu.memory_space<vmem>>, vector<1x16xf32>,
      %get3A_540 = vector.shape_cast %get3A_539 : vector<1x16xf32> to vector<16xf32>
      %mul3A_541 = arith.mulf %get3A_535, %get3A_540 : vector<16xf32>
      %add3A_542 = arith.addf %add3A_530, %mul3A_541 : vector<16xf32>
      %get3A_543 = arith.constant 39 : i32
      %get3A_544 = arith.index_cast %get3A_543 : i32 to index
      %get3A_545 = arith.index_cast %mul3A_74 : i32 to index
      %get3A_546 = tpu.vector_load %arg6[%get3A_544, %get3A_545] {strides = array<i32>} : memref<64x256xf32, #tpu.memory_space<vmem>>, vector<1x16xf32>,
      %get3A_547 = vector.shape_cast %get3A_546 : vector<1x16xf32> to vector<16xf32>
      %get3A_548 = arith.constant 39 : i32
      %get3A_549 = arith.index_cast %get3A_548 : i32 to index
      %get3A_550 = arith.index_cast %mul3A_74 : i32 to index
      %get3A_551 = tpu.vector_load %arg7[%get3A_549, %get3A_550] {strides = array<i32>} : memref<64x256xf32, #tpu.memory_space<vmem>>, vector<1x16xf32>,
      %get3A_552 = vector.shape_cast %get3A_551 : vector<1x16xf32> to vector<16xf32>
      %mul3A_553 = arith.mulf %get3A_547, %get3A_552 : vector<16xf32>
      %add3A_554 = arith.addf %add3A_542, %mul3A_553 : vector<16xf32>
      %get3A_555 = arith.constant 40 : i32
      %get3A_556 = arith.index_cast %get3A_555 : i32 to index
      %get3A_557 = arith.index_cast %mul3A_74 : i32 to index
      %get3A_558 = tpu.vector_load %arg6[%get3A_556, %get3A_557] {strides = array<i32>} : memref<64x256xf32, #tpu.memory_space<vmem>>, vector<1x16xf32>,
      %get3A_559 = vector.shape_cast %get3A_558 : vector<1x16xf32> to vector<16xf32>
      %get3A_560 = arith.constant 40 : i32
      %get3A_561 = arith.index_cast %get3A_560 : i32 to index
      %get3A_562 = arith.index_cast %mul3A_74 : i32 to index
      %get3A_563 = tpu.vector_load %arg7[%get3A_561, %get3A_562] {strides = array<i32>} : memref<64x256xf32, #tpu.memory_space<vmem>>, vector<1x16xf32>,
      %get3A_564 = vector.shape_cast %get3A_563 : vector<1x16xf32> to vector<16xf32>
      %mul3A_565 = arith.mulf %get3A_559, %get3A_564 : vector<16xf32>
      %add3A_566 = arith.addf %add3A_554, %mul3A_565 : vector<16xf32>
      %get3A_567 = arith.constant 41 : i32
      %get3A_568 = arith.index_cast %get3A_567 : i32 to index
      %get3A_569 = arith.index_cast %mul3A_74 : i32 to index
      %get3A_570 = tpu.vector_load %arg6[%get3A_568, %get3A_569] {strides = array<i32>} : memref<64x256xf32, #tpu.memory_space<vmem>>, vector<1x16xf32>,
      %get3A_571 = vector.shape_cast %get3A_570 : vector<1x16xf32> to vector<16xf32>
      %get3A_572 = arith.constant 41 : i32
      %get3A_573 = arith.index_cast %get3A_572 : i32 to index
      %get3A_574 = arith.index_cast %mul3A_74 : i32 to index
      %get3A_575 = tpu.vector_load %arg7[%get3A_573, %get3A_574] {strides = array<i32>} : memref<64x256xf32, #tpu.memory_space<vmem>>, vector<1x16xf32>,
      %get3A_576 = vector.shape_cast %get3A_575 : vector<1x16xf32> to vector<16xf32>
      %mul3A_577 = arith.mulf %get3A_571, %get3A_576 : vector<16xf32>
      %add3A_578 = arith.addf %add3A_566, %mul3A_577 : vector<16xf32>
      %get3A_579 = arith.constant 42 : i32
      %get3A_580 = arith.index_cast %get3A_579 : i32 to index
      %get3A_581 = arith.index_cast %mul3A_74 : i32 to index
      %get3A_582 = tpu.vector_load %arg6[%get3A_580, %get3A_581] {strides = array<i32>} : memref<64x256xf32, #tpu.memory_space<vmem>>, vector<1x16xf32>,
      %get3A_583 = vector.shape_cast %get3A_582 : vector<1x16xf32> to vector<16xf32>
      %get3A_584 = arith.constant 42 : i32
      %get3A_585 = arith.index_cast %get3A_584 : i32 to index
      %get3A_586 = arith.index_cast %mul3A_74 : i32 to index
      %get3A_587 = tpu.vector_load %arg7[%get3A_585, %get3A_586] {strides = array<i32>} : memref<64x256xf32, #tpu.memory_space<vmem>>, vector<1x16xf32>,
      %get3A_588 = vector.shape_cast %get3A_587 : vector<1x16xf32> to vector<16xf32>
      %mul3A_589 = arith.mulf %get3A_583, %get3A_588 : vector<16xf32>
      %add3A_590 = arith.addf %add3A_578, %mul3A_589 : vector<16xf32>
      %get3A_591 = arith.constant 43 : i32
      %get3A_592 = arith.index_cast %get3A_591 : i32 to index
      %get3A_593 = arith.index_cast %mul3A_74 : i32 to index
      %get3A_594 = tpu.vector_load %arg6[%get3A_592, %get3A_593] {strides = array<i32>} : memref<64x256xf32, #tpu.memory_space<vmem>>, vector<1x16xf32>,
      %get3A_595 = vector.shape_cast %get3A_594 : vector<1x16xf32> to vector<16xf32>
      %get3A_596 = arith.constant 43 : i32
      %get3A_597 = arith.index_cast %get3A_596 : i32 to index
      %get3A_598 = arith.index_cast %mul3A_74 : i32 to index
      %get3A_599 = tpu.vector_load %arg7[%get3A_597, %get3A_598] {strides = array<i32>} : memref<64x256xf32, #tpu.memory_space<vmem>>, vector<1x16xf32>,
      %get3A_600 = vector.shape_cast %get3A_599 : vector<1x16xf32> to vector<16xf32>
      %mul3A_601 = arith.mulf %get3A_595, %get3A_600 : vector<16xf32>
      %add3A_602 = arith.addf %add3A_590, %mul3A_601 : vector<16xf32>
      %get3A_603 = arith.constant 44 : i32
      %get3A_604 = arith.index_cast %get3A_603 : i32 to index
      %get3A_605 = arith.index_cast %mul3A_74 : i32 to index
      %get3A_606 = tpu.vector_load %arg6[%get3A_604, %get3A_605] {strides = array<i32>} : memref<64x256xf32, #tpu.memory_space<vmem>>, vector<1x16xf32>,
      %get3A_607 = vector.shape_cast %get3A_606 : vector<1x16xf32> to vector<16xf32>
      %get3A_608 = arith.constant 44 : i32
      %get3A_609 = arith.index_cast %get3A_608 : i32 to index
      %get3A_610 = arith.index_cast %mul3A_74 : i32 to index
      %get3A_611 = tpu.vector_load %arg7[%get3A_609, %get3A_610] {strides = array<i32>} : memref<64x256xf32, #tpu.memory_space<vmem>>, vector<1x16xf32>,
      %get3A_612 = vector.shape_cast %get3A_611 : vector<1x16xf32> to vector<16xf32>
      %mul3A_613 = arith.mulf %get3A_607, %get3A_612 : vector<16xf32>
      %add3A_614 = arith.addf %add3A_602, %mul3A_613 : vector<16xf32>
      %get3A_615 = arith.constant 45 : i32
      %get3A_616 = arith.index_cast %get3A_615 : i32 to index
      %get3A_617 = arith.index_cast %mul3A_74 : i32 to index
      %get3A_618 = tpu.vector_load %arg6[%get3A_616, %get3A_617] {strides = array<i32>} : memref<64x256xf32, #tpu.memory_space<vmem>>, vector<1x16xf32>,
      %get3A_619 = vector.shape_cast %get3A_618 : vector<1x16xf32> to vector<16xf32>
      %get3A_620 = arith.constant 45 : i32
      %get3A_621 = arith.index_cast %get3A_620 : i32 to index
      %get3A_622 = arith.index_cast %mul3A_74 : i32 to index
      %get3A_623 = tpu.vector_load %arg7[%get3A_621, %get3A_622] {strides = array<i32>} : memref<64x256xf32, #tpu.memory_space<vmem>>, vector<1x16xf32>,
      %get3A_624 = vector.shape_cast %get3A_623 : vector<1x16xf32> to vector<16xf32>
      %mul3A_625 = arith.mulf %get3A_619, %get3A_624 : vector<16xf32>
      %add3A_626 = arith.addf %add3A_614, %mul3A_625 : vector<16xf32>
      %get3A_627 = arith.constant 46 : i32
      %get3A_628 = arith.index_cast %get3A_627 : i32 to index
      %get3A_629 = arith.index_cast %mul3A_74 : i32 to index
      %get3A_630 = tpu.vector_load %arg6[%get3A_628, %get3A_629] {strides = array<i32>} : memref<64x256xf32, #tpu.memory_space<vmem>>, vector<1x16xf32>,
      %get3A_631 = vector.shape_cast %get3A_630 : vector<1x16xf32> to vector<16xf32>
      %get3A_632 = arith.constant 46 : i32
      %get3A_633 = arith.index_cast %get3A_632 : i32 to index
      %get3A_634 = arith.index_cast %mul3A_74 : i32 to index
      %get3A_635 = tpu.vector_load %arg7[%get3A_633, %get3A_634] {strides = array<i32>} : memref<64x256xf32, #tpu.memory_space<vmem>>, vector<1x16xf32>,
      %get3A_636 = vector.shape_cast %get3A_635 : vector<1x16xf32> to vector<16xf32>
      %mul3A_637 = arith.mulf %get3A_631, %get3A_636 : vector<16xf32>
      %add3A_638 = arith.addf %add3A_626, %mul3A_637 : vector<16xf32>
      %get3A_639 = arith.constant 47 : i32
      %get3A_640 = arith.index_cast %get3A_639 : i32 to index
      %get3A_641 = arith.index_cast %mul3A_74 : i32 to index
      %get3A_642 = tpu.vector_load %arg6[%get3A_640, %get3A_641] {strides = array<i32>} : memref<64x256xf32, #tpu.memory_space<vmem>>, vector<1x16xf32>,
      %get3A_643 = vector.shape_cast %get3A_642 : vector<1x16xf32> to vector<16xf32>
      %get3A_644 = arith.constant 47 : i32
      %get3A_645 = arith.index_cast %get3A_644 : i32 to index
      %get3A_646 = arith.index_cast %mul3A_74 : i32 to index
      %get3A_647 = tpu.vector_load %arg7[%get3A_645, %get3A_646] {strides = array<i32>} : memref<64x256xf32, #tpu.memory_space<vmem>>, vector<1x16xf32>,
      %get3A_648 = vector.shape_cast %get3A_647 : vector<1x16xf32> to vector<16xf32>
      %mul3A_649 = arith.mulf %get3A_643, %get3A_648 : vector<16xf32>
      %add3A_650 = arith.addf %add3A_638, %mul3A_649 : vector<16xf32>
      %get3A_651 = arith.constant 48 : i32
      %get3A_652 = arith.index_cast %get3A_651 : i32 to index
      %get3A_653 = arith.index_cast %mul3A_74 : i32 to index
      %get3A_654 = tpu.vector_load %arg6[%get3A_652, %get3A_653] {strides = array<i32>} : memref<64x256xf32, #tpu.memory_space<vmem>>, vector<1x16xf32>,
      %get3A_655 = vector.shape_cast %get3A_654 : vector<1x16xf32> to vector<16xf32>
      %get3A_656 = arith.constant 48 : i32
      %get3A_657 = arith.index_cast %get3A_656 : i32 to index
      %get3A_658 = arith.index_cast %mul3A_74 : i32 to index
      %get3A_659 = tpu.vector_load %arg7[%get3A_657, %get3A_658] {strides = array<i32>} : memref<64x256xf32, #tpu.memory_space<vmem>>, vector<1x16xf32>,
      %get3A_660 = vector.shape_cast %get3A_659 : vector<1x16xf32> to vector<16xf32>
      %mul3A_661 = arith.mulf %get3A_655, %get3A_660 : vector<16xf32>
      %add3A_662 = arith.addf %add3A_650, %mul3A_661 : vector<16xf32>
      %get3A_663 = arith.constant 49 : i32
      %get3A_664 = arith.index_cast %get3A_663 : i32 to index
      %get3A_665 = arith.index_cast %mul3A_74 : i32 to index
      %get3A_666 = tpu.vector_load %arg6[%get3A_664, %get3A_665] {strides = array<i32>} : memref<64x256xf32, #tpu.memory_space<vmem>>, vector<1x16xf32>,
      %get3A_667 = vector.shape_cast %get3A_666 : vector<1x16xf32> to vector<16xf32>
      %get3A_668 = arith.constant 49 : i32
      %get3A_669 = arith.index_cast %get3A_668 : i32 to index
      %get3A_670 = arith.index_cast %mul3A_74 : i32 to index
      %get3A_671 = tpu.vector_load %arg7[%get3A_669, %get3A_670] {strides = array<i32>} : memref<64x256xf32, #tpu.memory_space<vmem>>, vector<1x16xf32>,
      %get3A_672 = vector.shape_cast %get3A_671 : vector<1x16xf32> to vector<16xf32>
      %mul3A_673 = arith.mulf %get3A_667, %get3A_672 : vector<16xf32>
      %add3A_674 = arith.addf %add3A_662, %mul3A_673 : vector<16xf32>
      %get3A_675 = arith.constant 50 : i32
      %get3A_676 = arith.index_cast %get3A_675 : i32 to index
      %get3A_677 = arith.index_cast %mul3A_74 : i32 to index
      %get3A_678 = tpu.vector_load %arg6[%get3A_676, %get3A_677] {strides = array<i32>} : memref<64x256xf32, #tpu.memory_space<vmem>>, vector<1x16xf32>,
      %get3A_679 = vector.shape_cast %get3A_678 : vector<1x16xf32> to vector<16xf32>
      %get3A_680 = arith.constant 50 : i32
      %get3A_681 = arith.index_cast %get3A_680 : i32 to index
      %get3A_682 = arith.index_cast %mul3A_74 : i32 to index
      %get3A_683 = tpu.vector_load %arg7[%get3A_681, %get3A_682] {strides = array<i32>} : memref<64x256xf32, #tpu.memory_space<vmem>>, vector<1x16xf32>,
      %get3A_684 = vector.shape_cast %get3A_683 : vector<1x16xf32> to vector<16xf32>
      %mul3A_685 = arith.mulf %get3A_679, %get3A_684 : vector<16xf32>
      %add3A_686 = arith.addf %add3A_674, %mul3A_685 : vector<16xf32>
      %get3A_687 = arith.constant 51 : i32
      %get3A_688 = arith.index_cast %get3A_687 : i32 to index
      %get3A_689 = arith.index_cast %mul3A_74 : i32 to index
      %get3A_690 = tpu.vector_load %arg6[%get3A_688, %get3A_689] {strides = array<i32>} : memref<64x256xf32, #tpu.memory_space<vmem>>, vector<1x16xf32>,
      %get3A_691 = vector.shape_cast %get3A_690 : vector<1x16xf32> to vector<16xf32>
      %get3A_692 = arith.constant 51 : i32
      %get3A_693 = arith.index_cast %get3A_692 : i32 to index
      %get3A_694 = arith.index_cast %mul3A_74 : i32 to index
      %get3A_695 = tpu.vector_load %arg7[%get3A_693, %get3A_694] {strides = array<i32>} : memref<64x256xf32, #tpu.memory_space<vmem>>, vector<1x16xf32>,
      %get3A_696 = vector.shape_cast %get3A_695 : vector<1x16xf32> to vector<16xf32>
      %mul3A_697 = arith.mulf %get3A_691, %get3A_696 : vector<16xf32>
      %add3A_698 = arith.addf %add3A_686, %mul3A_697 : vector<16xf32>
      %get3A_699 = arith.constant 52 : i32
      %get3A_700 = arith.index_cast %get3A_699 : i32 to index
      %get3A_701 = arith.index_cast %mul3A_74 : i32 to index
      %get3A_702 = tpu.vector_load %arg6[%get3A_700, %get3A_701] {strides = array<i32>} : memref<64x256xf32, #tpu.memory_space<vmem>>, vector<1x16xf32>,
      %get3A_703 = vector.shape_cast %get3A_702 : vector<1x16xf32> to vector<16xf32>
      %get3A_704 = arith.constant 52 : i32
      %get3A_705 = arith.index_cast %get3A_704 : i32 to index
      %get3A_706 = arith.index_cast %mul3A_74 : i32 to index
      %get3A_707 = tpu.vector_load %arg7[%get3A_705, %get3A_706] {strides = array<i32>} : memref<64x256xf32, #tpu.memory_space<vmem>>, vector<1x16xf32>,
      %get3A_708 = vector.shape_cast %get3A_707 : vector<1x16xf32> to vector<16xf32>
      %mul3A_709 = arith.mulf %get3A_703, %get3A_708 : vector<16xf32>
      %add3A_710 = arith.addf %add3A_698, %mul3A_709 : vector<16xf32>
      %get3A_711 = arith.constant 53 : i32
      %get3A_712 = arith.index_cast %get3A_711 : i32 to index
      %get3A_713 = arith.index_cast %mul3A_74 : i32 to index
      %get3A_714 = tpu.vector_load %arg6[%get3A_712, %get3A_713] {strides = array<i32>} : memref<64x256xf32, #tpu.memory_space<vmem>>, vector<1x16xf32>,
      %get3A_715 = vector.shape_cast %get3A_714 : vector<1x16xf32> to vector<16xf32>
      %get3A_716 = arith.constant 53 : i32
      %get3A_717 = arith.index_cast %get3A_716 : i32 to index
      %get3A_718 = arith.index_cast %mul3A_74 : i32 to index
      %get3A_719 = tpu.vector_load %arg7[%get3A_717, %get3A_718] {strides = array<i32>} : memref<64x256xf32, #tpu.memory_space<vmem>>, vector<1x16xf32>,
      %get3A_720 = vector.shape_cast %get3A_719 : vector<1x16xf32> to vector<16xf32>
      %mul3A_721 = arith.mulf %get3A_715, %get3A_720 : vector<16xf32>
      %add3A_722 = arith.addf %add3A_710, %mul3A_721 : vector<16xf32>
      %get3A_723 = arith.constant 54 : i32
      %get3A_724 = arith.index_cast %get3A_723 : i32 to index
      %get3A_725 = arith.index_cast %mul3A_74 : i32 to index
      %get3A_726 = tpu.vector_load %arg6[%get3A_724, %get3A_725] {strides = array<i32>} : memref<64x256xf32, #tpu.memory_space<vmem>>, vector<1x16xf32>,
      %get3A_727 = vector.shape_cast %get3A_726 : vector<1x16xf32> to vector<16xf32>
      %get3A_728 = arith.constant 54 : i32
      %get3A_729 = arith.index_cast %get3A_728 : i32 to index
      %get3A_730 = arith.index_cast %mul3A_74 : i32 to index
      %get3A_731 = tpu.vector_load %arg7[%get3A_729, %get3A_730] {strides = array<i32>} : memref<64x256xf32, #tpu.memory_space<vmem>>, vector<1x16xf32>,
      %get3A_732 = vector.shape_cast %get3A_731 : vector<1x16xf32> to vector<16xf32>
      %mul3A_733 = arith.mulf %get3A_727, %get3A_732 : vector<16xf32>
      %add3A_734 = arith.addf %add3A_722, %mul3A_733 : vector<16xf32>
      %get3A_735 = arith.constant 55 : i32
      %get3A_736 = arith.index_cast %get3A_735 : i32 to index
      %get3A_737 = arith.index_cast %mul3A_74 : i32 to index
      %get3A_738 = tpu.vector_load %arg6[%get3A_736, %get3A_737] {strides = array<i32>} : memref<64x256xf32, #tpu.memory_space<vmem>>, vector<1x16xf32>,
      %get3A_739 = vector.shape_cast %get3A_738 : vector<1x16xf32> to vector<16xf32>
      %get3A_740 = arith.constant 55 : i32
      %get3A_741 = arith.index_cast %get3A_740 : i32 to index
      %get3A_742 = arith.index_cast %mul3A_74 : i32 to index
      %get3A_743 = tpu.vector_load %arg7[%get3A_741, %get3A_742] {strides = array<i32>} : memref<64x256xf32, #tpu.memory_space<vmem>>, vector<1x16xf32>,
      %get3A_744 = vector.shape_cast %get3A_743 : vector<1x16xf32> to vector<16xf32>
      %mul3A_745 = arith.mulf %get3A_739, %get3A_744 : vector<16xf32>
      %add3A_746 = arith.addf %add3A_734, %mul3A_745 : vector<16xf32>
      %get3A_747 = arith.constant 56 : i32
      %get3A_748 = arith.index_cast %get3A_747 : i32 to index
      %get3A_749 = arith.index_cast %mul3A_74 : i32 to index
      %get3A_750 = tpu.vector_load %arg6[%get3A_748, %get3A_749] {strides = array<i32>} : memref<64x256xf32, #tpu.memory_space<vmem>>, vector<1x16xf32>,
      %get3A_751 = vector.shape_cast %get3A_750 : vector<1x16xf32> to vector<16xf32>
      %get3A_752 = arith.constant 56 : i32
      %get3A_753 = arith.index_cast %get3A_752 : i32 to index
      %get3A_754 = arith.index_cast %mul3A_74 : i32 to index
      %get3A_755 = tpu.vector_load %arg7[%get3A_753, %get3A_754] {strides = array<i32>} : memref<64x256xf32, #tpu.memory_space<vmem>>, vector<1x16xf32>,
      %get3A_756 = vector.shape_cast %get3A_755 : vector<1x16xf32> to vector<16xf32>
      %mul3A_757 = arith.mulf %get3A_751, %get3A_756 : vector<16xf32>
      %add3A_758 = arith.addf %add3A_746, %mul3A_757 : vector<16xf32>
      %get3A_759 = arith.constant 57 : i32
      %get3A_760 = arith.index_cast %get3A_759 : i32 to index
      %get3A_761 = arith.index_cast %mul3A_74 : i32 to index
      %get3A_762 = tpu.vector_load %arg6[%get3A_760, %get3A_761] {strides = array<i32>} : memref<64x256xf32, #tpu.memory_space<vmem>>, vector<1x16xf32>,
      %get3A_763 = vector.shape_cast %get3A_762 : vector<1x16xf32> to vector<16xf32>
      %get3A_764 = arith.constant 57 : i32
      %get3A_765 = arith.index_cast %get3A_764 : i32 to index
      %get3A_766 = arith.index_cast %mul3A_74 : i32 to index
      %get3A_767 = tpu.vector_load %arg7[%get3A_765, %get3A_766] {strides = array<i32>} : memref<64x256xf32, #tpu.memory_space<vmem>>, vector<1x16xf32>,
      %get3A_768 = vector.shape_cast %get3A_767 : vector<1x16xf32> to vector<16xf32>
      %mul3A_769 = arith.mulf %get3A_763, %get3A_768 : vector<16xf32>
      %add3A_770 = arith.addf %add3A_758, %mul3A_769 : vector<16xf32>
      %get3A_771 = arith.constant 58 : i32
      %get3A_772 = arith.index_cast %get3A_771 : i32 to index
      %get3A_773 = arith.index_cast %mul3A_74 : i32 to index
      %get3A_774 = tpu.vector_load %arg6[%get3A_772, %get3A_773] {strides = array<i32>} : memref<64x256xf32, #tpu.memory_space<vmem>>, vector<1x16xf32>,
      %get3A_775 = vector.shape_cast %get3A_774 : vector<1x16xf32> to vector<16xf32>
      %get3A_776 = arith.constant 58 : i32
      %get3A_777 = arith.index_cast %get3A_776 : i32 to index
      %get3A_778 = arith.index_cast %mul3A_74 : i32 to index
      %get3A_779 = tpu.vector_load %arg7[%get3A_777, %get3A_778] {strides = array<i32>} : memref<64x256xf32, #tpu.memory_space<vmem>>, vector<1x16xf32>,
      %get3A_780 = vector.shape_cast %get3A_779 : vector<1x16xf32> to vector<16xf32>
      %mul3A_781 = arith.mulf %get3A_775, %get3A_780 : vector<16xf32>
      %add3A_782 = arith.addf %add3A_770, %mul3A_781 : vector<16xf32>
      %get3A_783 = arith.constant 59 : i32
      %get3A_784 = arith.index_cast %get3A_783 : i32 to index
      %get3A_785 = arith.index_cast %mul3A_74 : i32 to index
      %get3A_786 = tpu.vector_load %arg6[%get3A_784, %get3A_785] {strides = array<i32>} : memref<64x256xf32, #tpu.memory_space<vmem>>, vector<1x16xf32>,
      %get3A_787 = vector.shape_cast %get3A_786 : vector<1x16xf32> to vector<16xf32>
      %get3A_788 = arith.constant 59 : i32
      %get3A_789 = arith.index_cast %get3A_788 : i32 to index
      %get3A_790 = arith.index_cast %mul3A_74 : i32 to index
      %get3A_791 = tpu.vector_load %arg7[%get3A_789, %get3A_790] {strides = array<i32>} : memref<64x256xf32, #tpu.memory_space<vmem>>, vector<1x16xf32>,
      %get3A_792 = vector.shape_cast %get3A_791 : vector<1x16xf32> to vector<16xf32>
      %mul3A_793 = arith.mulf %get3A_787, %get3A_792 : vector<16xf32>
      %add3A_794 = arith.addf %add3A_782, %mul3A_793 : vector<16xf32>
      %get3A_795 = arith.constant 60 : i32
      %get3A_796 = arith.index_cast %get3A_795 : i32 to index
      %get3A_797 = arith.index_cast %mul3A_74 : i32 to index
      %get3A_798 = tpu.vector_load %arg6[%get3A_796, %get3A_797] {strides = array<i32>} : memref<64x256xf32, #tpu.memory_space<vmem>>, vector<1x16xf32>,
      %get3A_799 = vector.shape_cast %get3A_798 : vector<1x16xf32> to vector<16xf32>
      %get3A_800 = arith.constant 60 : i32
      %get3A_801 = arith.index_cast %get3A_800 : i32 to index
      %get3A_802 = arith.index_cast %mul3A_74 : i32 to index
      %get3A_803 = tpu.vector_load %arg7[%get3A_801, %get3A_802] {strides = array<i32>} : memref<64x256xf32, #tpu.memory_space<vmem>>, vector<1x16xf32>,
      %get3A_804 = vector.shape_cast %get3A_803 : vector<1x16xf32> to vector<16xf32>
      %mul3A_805 = arith.mulf %get3A_799, %get3A_804 : vector<16xf32>
      %add3A_806 = arith.addf %add3A_794, %mul3A_805 : vector<16xf32>
      %get3A_807 = arith.constant 61 : i32
      %get3A_808 = arith.index_cast %get3A_807 : i32 to index
      %get3A_809 = arith.index_cast %mul3A_74 : i32 to index
      %get3A_810 = tpu.vector_load %arg6[%get3A_808, %get3A_809] {strides = array<i32>} : memref<64x256xf32, #tpu.memory_space<vmem>>, vector<1x16xf32>,
      %get3A_811 = vector.shape_cast %get3A_810 : vector<1x16xf32> to vector<16xf32>
      %get3A_812 = arith.constant 61 : i32
      %get3A_813 = arith.index_cast %get3A_812 : i32 to index
      %get3A_814 = arith.index_cast %mul3A_74 : i32 to index
      %get3A_815 = tpu.vector_load %arg7[%get3A_813, %get3A_814] {strides = array<i32>} : memref<64x256xf32, #tpu.memory_space<vmem>>, vector<1x16xf32>,
      %get3A_816 = vector.shape_cast %get3A_815 : vector<1x16xf32> to vector<16xf32>
      %mul3A_817 = arith.mulf %get3A_811, %get3A_816 : vector<16xf32>
      %add3A_818 = arith.addf %add3A_806, %mul3A_817 : vector<16xf32>
      %get3A_819 = arith.constant 62 : i32
      %get3A_820 = arith.index_cast %get3A_819 : i32 to index
      %get3A_821 = arith.index_cast %mul3A_74 : i32 to index
      %get3A_822 = tpu.vector_load %arg6[%get3A_820, %get3A_821] {strides = array<i32>} : memref<64x256xf32, #tpu.memory_space<vmem>>, vector<1x16xf32>,
      %get3A_823 = vector.shape_cast %get3A_822 : vector<1x16xf32> to vector<16xf32>
      %get3A_824 = arith.constant 62 : i32
      %get3A_825 = arith.index_cast %get3A_824 : i32 to index
      %get3A_826 = arith.index_cast %mul3A_74 : i32 to index
      %get3A_827 = tpu.vector_load %arg7[%get3A_825, %get3A_826] {strides = array<i32>} : memref<64x256xf32, #tpu.memory_space<vmem>>, vector<1x16xf32>,
      %get3A_828 = vector.shape_cast %get3A_827 : vector<1x16xf32> to vector<16xf32>
      %mul3A_829 = arith.mulf %get3A_823, %get3A_828 : vector<16xf32>
      %add3A_830 = arith.addf %add3A_818, %mul3A_829 : vector<16xf32>
      %get3A_831 = arith.constant 63 : i32
      %get3A_832 = arith.index_cast %get3A_831 : i32 to index
      %get3A_833 = arith.index_cast %mul3A_74 : i32 to index
      %get3A_834 = tpu.vector_load %arg6[%get3A_832, %get3A_833] {strides = array<i32>} : memref<64x256xf32, #tpu.memory_space<vmem>>, vector<1x16xf32>,
      %get3A_835 = vector.shape_cast %get3A_834 : vector<1x16xf32> to vector<16xf32>
      %get3A_836 = arith.constant 63 : i32
      %get3A_837 = arith.index_cast %get3A_836 : i32 to index
      %get3A_838 = arith.index_cast %mul3A_74 : i32 to index
      %get3A_839 = tpu.vector_load %arg7[%get3A_837, %get3A_838] {strides = array<i32>} : memref<64x256xf32, #tpu.memory_space<vmem>>, vector<1x16xf32>,
      %get3A_840 = vector.shape_cast %get3A_839 : vector<1x16xf32> to vector<16xf32>
      %mul3A_841 = arith.mulf %get3A_835, %get3A_840 : vector<16xf32>
      %add3A_842 = arith.addf %add3A_830, %mul3A_841 : vector<16xf32>
      %add3A_843 = arith.constant 256 : i32
      %add3A_844 = arith.addi %add3A_843, %mul3A_74 : i32
      %swap3A = arith.index_cast %add3A_844 : i32 to index
      %swap3A_845 = tpu.vector_load %arg8[%swap3A] {strides = array<i32>} : memref<512xf32, #tpu.memory_space<vmem>>, vector<16xf32>,
      %swap3A_846 = vector.shape_cast %swap3A_845 : vector<16xf32> to vector<16xf32>
      %swap3A_847 = vector.shape_cast %add3A_842 : vector<16xf32> to vector<16xf32>
      tpu.vector_store %arg8[%swap3A], %swap3A_847 {strides = array<i32>} : memref<512xf32, #tpu.memory_space<vmem>>, vector<16xf32>,
    }
    %scan3A_71 = arith.constant 16 : i32
    "tpu.region"() ({
      %run_scoped3A = tpu.sem_alloc : memref<!tpu.dma_semaphore, #tpu.memory_space<semaphore_mem>>
      %dma_start3A_72 = tpu.memref_slice %arg3[%mul3A_2] : memref<16384xf32, #tpu.memory_space<hbm>> -> memref<512xf32, #tpu.memory_space<hbm>>
      %dma_start3A_73 = tpu.memref_slice %arg3[%mul3A_2] : memref<16384xf32, #tpu.memory_space<hbm>> -> memref<512xf32, #tpu.memory_space<hbm>>
      tpu.enqueue_dma source(%arg8 : memref<512xf32, #tpu.memory_space<vmem>>) target(%dma_start3A_73 : memref<512xf32, #tpu.memory_space<hbm>>) target_semaphore(%run_scoped3A : memref<!tpu.dma_semaphore, #tpu.memory_space<semaphore_mem>>)
      %dma_wait3A_74 = tpu.memref_slice %arg3[%mul3A_2] : memref<16384xf32, #tpu.memory_space<hbm>> -> memref<512xf32, #tpu.memory_space<hbm>>
      %dma_wait3A_75 = tpu.memref_slice %arg3[%mul3A_2] : memref<16384xf32, #tpu.memory_space<hbm>> -> memref<512xf32, #tpu.memory_space<hbm>>
      tpu.wait_dma2 semaphore(%run_scoped3A : memref<!tpu.dma_semaphore, #tpu.memory_space<semaphore_mem>>) src(%arg8 : memref<512xf32, #tpu.memory_space<vmem>>) dst(%dma_wait3A_75 : memref<512xf32, #tpu.memory_space<hbm>>)
      tpu.yield
    }) : () -> ()
    return
  }
}

</mosaic_0001>

<sc_bundles>
// kernel: kernel.3.cloned.1.call-start
scs
__scs_entry_jumppad:
0x0: {  	(pc) =	sbr.rel $0x88, $3  }
0x1: {  	(tag) =	ssettag $0x0;
	lr =	simm.s32 $0x1  }
0x2: {  	[smem:$0x3FA0] =	sst lr;
	_ =	strace $0xD0000000  }
0x3: {  	_ = 	snop  }
0x4: {  	_ = 	snop  }
0x5: {  	_ = 	snop  }
0x6: {  	_ = 	snop  }
0x7: {  	_ = 	snop  }
__scs_overlays_trampoline_lowered:
0x8: {  	[smem:$0x3FAF] =	sst s0  }
0x9: {  	[smem:$0x3FB0] =	sst s1  }
0xa: {  	[smem:$0x3FB1] =	sst s2  }
0xb: {  	[smem:$0x3FB2] =	sst s3  }
0xc: {  	[smem:$0x3FB3] =	sst s4  }
0xd: {  	[smem:$0x3FB4] =	sst s5  }
0xe: {  	[smem:$0x3FB5] =	sst s6  }
0xf: {  	[smem:$0x3FB6] =	sst s7  }
0x10: {  	[smem:$0x3FB7] =	sst s8  }
0x11: {  	[smem:$0x3FB8] =	sst s9;
	s0 =	simm.s32 @!p0 $0x0  }
0x12: {  	s1 =	sld [smem:$0x3F9E];
	s0 =	simm.s32 @p0 $0x1  }
0x13: {  	[smem:$0x3FB9] =	sst s0;
	s0 =	simm.s32 @!p1 $0x0  }
0x14: {  	s2 =	sld [smem:$0x3F9D];
	s0 =	simm.s32 @p1 $0x1  }
0x15: {  	[smem:$0x3FBA] =	sst s0;
	s0 =	simm.s32 @!p2 $0x0  }
0x16: {  	s3 =	sld [smem:$0x3FDB];
	s0 =	simm.s32 @p2 $0x1  }
0x17: {  	s4 =	simm.s32 $0x1BF5;
	[smem:$0x3FBC] =	sst s0  }
0x18: {  	s0 =	sld [smem:$0x3F9F];
	_ =	swait.ge [sflag:s4], $0x0  }
0x19: {  	s7 =	sld [smem:$0x3FA0]  }
0x1a: {  	s8 =	sadd.s32 $0xFFFFE003, lr  }
0x1b: {  	s9 =	sadd.s32 $0xFFFFFEF7, lr;
	s5 =	simm.s32 $0xFFFFFFFF;
	p2 =	slt.u32 s8, $0xFFFFF086  }
0x1c: {  	p1 =	slt.u32 s9, $0xF7A;
	s5 =	simm.s32 @!p2 $0x0  }
0x1d: {  	s5 =	simm.s32 @p1 $0x1;
	p0 =	seq.s32 s7, s2  }
0x1e: {  	s7 =	smul.u32 @!p0 $0xF7A, s2;
	p2 =	seq.s32 @!p0 s5, $0x0  }
0x1f: {  	s9 =	smul.u32 $0xF7A, s1;
	s8 =	simm.s32 @!p0 $0x1BF5;
	p2 =	por !p2, p0  }
0x20: {  	[sflag:s8] =	ssyncset.s32 @!p0 $0xFFFFF086;
	s6 =	sadd.s32 @!p0 s3, s7;
	s7 =	simm.s32 @!p0 $0x108  }
0x21: {  	s3 =	sadd.s32 s3, s9;
	s6 =	sadd.s32 @!p0 $0x88, s6;
	s7 =	simm.s32 @p2 $0x1082  }
0x22: {  	[simem:s7], [sflag:s8] =	dma.local @!p0 [hbm:s6], $0xF7A  }
0x23: {  	s9 =	sor.u32 $0xD0000000, s2;
	s6 =	simm.s32 $0x108;
	_ =	swait.ge @!p0 [sflag:s8], $0x0  }
0x24: {  	s3 =	sadd.s32 $0x88, s3;
	s6 =	simm.s32 @!p1 $0x1082;
	[sflag:s4] =	ssyncset.s32 $0xFFFFF086  }
0x25: {  	[simem:s6], [sflag:s4] =	dma.local [hbm:s3], $0xF7A  }
0x26: {  	[smem:$0x3FA0] =	sst s1;
	(tag) =	ssettag s2;
	_ =	strace s9  }
0x27: {  	s1 =	sld [smem:$0x3FB0]  }
0x28: {  	s2 =	sld [smem:$0x3FB1]  }
0x29: {  	s4 =	sld [smem:$0x3FB3]  }
0x2a: {  	p0 =	seq.s32 s5, $0x0;
	s5 =	sld [smem:$0x3FB4]  }
0x2b: {  	s6 =	sld [smem:$0x3FB5]  }
0x2c: {  	s7 =	sld [smem:$0x3FB6]  }
0x2d: {  	s3 =	simm.s32 $0x108;
	s8 =	sld [smem:$0x3FB7]  }
0x2e: {  	s3 =	simm.s32 @!p0 $0x1082;
	s9 =	sld [smem:$0x3FB8]  }
0x2f: {  	lr =	sadd.s32 s0, s3;
	s0 =	sld [smem:$0x3FAF]  }
0x30: {  	s3 =	sld [smem:$0x3FB2]  }
0x31: {  	[smem:$0x3FBB] =	sst s10  }
0x32: {  	s10 =	sld [smem:$0x3FB9];
	_ =	sdelay $0x3  }
0x33: {  	p0 =	seq.s32 s10, $0x1;
	s10 =	sld [smem:$0x3FBB];
	_ =	sdelay $0x3  }
0x34: {  	[smem:$0x3FBB] =	sst s10  }
0x35: {  	s10 =	sld [smem:$0x3FBA];
	_ =	sdelay $0x3  }
0x36: {  	p1 =	seq.s32 s10, $0x1;
	s10 =	sld [smem:$0x3FBB];
	_ =	sdelay $0x3  }
0x37: {  	[smem:$0x3FBB] =	sst s10  }
0x38: {  	s10 =	sld [smem:$0x3FBC]  }
0x39: {  	_ = 	snop;
	(pc) =	sbr.ind lr, $3  }
0x3a: {  	_ = 	snop  }
0x3b: {  	_ = 	snop  }
0x3c: {  	p2 =	seq.s32 s10, $0x1;
	s10 =	sld [smem:$0x3FBB]  }
0x3d: {  	_ =	shalt  }
0x3e: {  	_ =	shalt  }
0x3f: {  	_ =	shalt  }
0x40: {  	_ =	shalt  }
0x41: {  	_ =	shalt  }
0x42: {  	_ =	shalt  }
0x43: {  	_ =	shalt  }
0x44: {  	_ =	shalt  }
0x45: {  	_ =	shalt  }
0x46: {  	_ =	shalt  }
0x47: {  	_ =	shalt  }
0x48: {  	_ =	shalt  }
0x49: {  	_ =	shalt  }
0x4a: {  	_ =	shalt  }
0x4b: {  	_ =	shalt  }
0x4c: {  	_ =	shalt  }
0x4d: {  	_ =	shalt  }
0x4e: {  	_ =	shalt  }
0x4f: {  	_ =	shalt  }
0x50: {  	_ =	shalt  }
0x51: {  	_ =	shalt  }
0x52: {  	_ =	shalt  }
0x53: {  	_ =	shalt  }
0x54: {  	_ =	shalt  }
0x55: {  	_ =	shalt  }
0x56: {  	_ =	shalt  }
0x57: {  	_ =	shalt  }
0x58: {  	_ =	shalt  }
0x59: {  	_ =	shalt  }
0x5a: {  	_ =	shalt  }
0x5b: {  	_ =	shalt  }
0x5c: {  	_ =	shalt  }
0x5d: {  	_ =	shalt  }
0x5e: {  	_ =	shalt  }
0x5f: {  	_ =	shalt  }
0x60: {  	_ =	shalt  }
0x61: {  	_ =	shalt  }
0x62: {  	_ =	shalt  }
0x63: {  	_ =	shalt  }
0x64: {  	_ =	shalt  }
0x65: {  	_ =	shalt  }
0x66: {  	_ =	shalt  }
0x67: {  	_ =	shalt  }
0x68: {  	_ =	shalt  }
0x69: {  	_ =	shalt  }
0x6a: {  	_ =	shalt  }
0x6b: {  	_ =	shalt  }
0x6c: {  	_ =	shalt  }
0x6d: {  	_ =	shalt  }
0x6e: {  	_ =	shalt  }
0x6f: {  	_ =	shalt  }
0x70: {  	_ =	shalt  }
0x71: {  	_ =	shalt  }
0x72: {  	_ =	shalt  }
0x73: {  	_ =	shalt  }
0x74: {  	_ =	shalt  }
0x75: {  	_ =	shalt  }
0x76: {  	_ =	shalt  }
0x77: {  	_ =	shalt  }
0x78: {  	_ =	shalt  }
0x79: {  	_ =	shalt  }
0x7a: {  	_ =	shalt  }
0x7b: {  	_ =	shalt  }
0x7c: {  	_ =	shalt  }
0x7d: {  	_ =	shalt  }
0x7e: {  	_ =	shalt  }
0x7f: {  	_ =	shalt  }
0x80: {  	_ =	shalt  }
0x81: {  	_ =	shalt  }
0x82: {  	_ =	shalt  }
0x83: {  	_ =	shalt  }
0x84: {  	_ =	shalt  }
0x85: {  	_ =	shalt  }
0x86: {  	_ =	shalt  }
0x87: {  	_ =	shalt  }
.Lfunc_end0:
.L_simem_size_0:
called_computation_lowered:
.L_overlay_start_0:
0x88: {  	s2 =	sld [smem:$0x3FD9]  }
0x89: {  	s3 =	sld [smem:$0x3FFE];
	_ =	sdelay $0x1  }
0x8a: {  	s1 =	srdreg.scid  }
0x8b: {  	s0 =	sand.u32 $0x1, s1  }
0x8c: {  	s18 =	sshll.u32 s0, $0xA;
	s2 =	sadd.s32 s3, s2  }
0x8d: {  	s2 =	sadd.s32 s2, s18  }
0x8e: {  	[smem:$0x3FC7] =	sst s2  }
0x8f: {  	_ = 	snop  }
0x90: {  	s2 =	sld [smem:$0x3FC9]  }
0x91: {  	s19 =	sld [smem:$0x3FD0];
	(tm) =	ssettm $0x1  }
0x92: {  	s4 =	sld [smem:$0x3FFB];
	_ =	sdelay $0x3  }
0x93: {  	_ =	strace s4  }
0x94: {  	s4 =	sld [smem:$0x3FFC];
	_ =	sdelay $0x3  }
0x95: {  	_ =	strace s4  }
0x96: {  	s4 =	sld [smem:$0x3FFD];
	_ =	sdelay $0x3  }
0x97: {  	_ =	strace s4  }
0x98: {  	_ =	strace $0x8FFFFFFF  }
0x99: {  	s20 =	sld [smem:$0x3FDB];
	_ =	sdelay $0x1  }
0x9a: {  	s5 =	simm.s32 $_scs_section_size  }
0x9b: {  	s6 =	simm.s32 $_size__tile_overlayer_lowered;
	s7 =	simm.s32 $_tile_overlayer_lowered  }
0x9c: {  	s23 =	simm.s32 $0x1BFF;
	s22 =	sshll.u32 s7, $0x1;
	s4 =	sadd.s32 s5, s20  }
0x9d: {  	s8 =	simm.s32 $0x0;
	s21 =	sshll.u32 s6, $0x1;
	s6 =	sadd.s32 s22, s4  }
0x9e: {  	[timem:s8], [sflag:s23] =	dma.local [hbm:s6], s21  }
0x9f: {  	_ =	swait.ge [sflag:s23], s21  }
0xa0: {  	s5 =	ssub.s32 $0x0, s21;
	[sflag:s23] =	ssyncset.done $0x0  }
0xa1: {  	[sflag:s23] =	ssyncadd.s32 s5;
	_ =	sdelay $0x1  }
0xa2: {  	s24 =	simm.s32 $0x1B8B  }
0xa3: {  	_ =	swait.ge [sflag:s24], $0x1  }
0xa4: {  	[sflag:s24] =	ssyncset.done $0x0  }
0xa5: {  	s25 =	simm.s32 $0x1B8E;
	[sflag:s24] =	ssyncadd.s32 $0xFFFFFFFF  }
0xa6: {  	s26 =	simm.s32 $execute0_lowered;
	[smem:$0x3FD2] =	sst s25  }
0xa7: {  	s5 =	sshll.u32 s26, $0x1;
	_ =	strace $0x80000046;
	[dreg:$0x1] =	wrdreg $0xFFFFFFFF  }
0xa8: {  	s28 =	simm.s32 $_size_execute0_lowered;
	s4 =	sadd.s32 s4, s5;
	[dreg:$0x0] =	wrdreg $0x0  }
0xa9: {  	s5 =	sshll.u32 s28, $0x1;
	[dreg:$0x2] =	wrdreg s4  }
0xaa: {  	[dreg:$0x3] =	wrdreg s5  }
0xab: {  	[dreg:$0x4] =	wrdreg $0xC0  }
0xac: {  	_ =	task [dreg:s8], $0x5FFFF  }
0xad: {  	[dreg:$0x1] =	wrdreg $0xFFFFFFFF  }
0xae: {  	[dreg:$0x0] =	wrdreg $0x60  }
0xaf: {  	[dreg:$0x2] =	wrdreg s2  }
0xb0: {  	[dreg:$0x3] =	wrdreg s19  }
0xb1: {  	[dreg:$0x4] =	wrdreg $0x9  }
0xb2: {  	_ =	task.clear_ibuf [dreg:s8], $0x5FFFF;
	_ =	strace $0x90000046  }
0xb3: {  	s29 =	simm.s32 $0x9;
	_ =	strace $0x80000048  }
0xb4: {  	_ =	swait.ge [sflag:s29], $0x1  }
0xb5: {  	[sflag:s29] =	ssyncadd.s32 $0xFFFFFFFF  }
0xb6: {  	_ =	strace $0x90000048  }
0xb7: {  	_ =	sfence  }
0xb8: {  	s30 =	sld [smem:$0x0];
	_ =	sdelay $0x2  }
0xb9: {  	s31 =	sshll.u32 s1, $0xD;
	s1 =	sshrl.u32 s1, $0x2  }
0xba: {  	s3 =	sand.u32 $0x4000, s31;
	s1 =	sadd.s32 s1, s30  }
0xbb: {  	s0 =	sor.u32 s3, s0;
	s1 =	sshll.u32 s1, $0x11  }
0xbc: {  	s0 =	sor.u32 s1, s0  }
0xbd: {  	s0 =	sadd.s32 $0x8F2B, s0  }
0xbe: {  	[sflag:s0] =	ssyncadd.remote.s32 $0x1  }
0xbf: {  	_ =	sfence.sel $0xFFFF  }
0xc0: {  	[dreg:$0x0] =	wrdreg $0xFFFFFFFF;
	(pc) =	sbr.abs _section_cstart, $3  }
0xc1: {  	[dreg:$0x1] =	wrdreg $0xFFFFFFFF  }
0xc2: {  	_ =	task.clear_ibuf [dreg:s8], $0x2FFFF;
	_ =	strace $0x9FFFFFFF  }
0xc3: {  	(tm) =	ssettm $0x7FFFFFFF  }
tec
execute0_lowered:
.L_overlay_start_1:
0x0: {  	(tag) =	ssettag $0x1  }
0x1: {  	s3 =	rddreg [dreg:$0x0];
	s0 =	srdreg.scid  }
0x2: {  	s7 =	rddreg [dreg:$0x1];
	s1 =	stileid.u32;
	s2 =	simm.s32 $0x0  }
0x3: {  	s10 =	simm.s32 $0x20000;
	s11 =	simm.s32 $0x4000;
	s12 =	simm.s32 $0x8000  }
0x4: {  	s13 =	simm.s32 $0xC000;
	s14 =	simm.s32 $0x1;
	s15 =	simm.s32 $0x2  }
0x5: {  	s16 =	simm.s32 $0x10000;
	s17 =	simm.s32 $0x3;
	s18 =	simm.s32 $0x0  }
0x6: {  	s4 =	sand.u32 $0x1, s0;
	s0 =	rddreg [dreg:$0x2];
	s5 =	sshll.u32 s1, $0xA  }
0x7: {  	[smem:$0x7FF] =	sst s2;
	s6 =	sshll.u32 s4, $0x9;
	s4 =	ssub.s32 $0x2, s4  }
0x8: {  	_ =	strace $0x80000047;
	s8 =	sor.u32 s6, s5;
	s31 =	sshrl.u32 s4, $0x1  }
0x9: {  	s3 =	sadd.s32 s3, s8;
	s9 =	ssub.s32 s4, s31;
	s8 =	sshrl.u32 s8, $0x3  }
0xa: {  	s4 =	sadd.s32 $0x20000, s3;
	s5 =	sadd.s32 $0x100, s3;
	s6 =	sadd.s32 $0x20100, s3  }
0xb: {  	s7 =	sadd.s32 s7, s8;
	s8 =	smax.u32 s9, $0x1;
	s9 =	simm.s32 $0x800  }
.LBB2_1:
0xc: {  	[tilespmem:s2], [sflag:$0x1] =	stream.strided.gather [hbm4b:s3+s9], $0x4000, s10, s9, $0x38;
	[tilespmem:$0x10200] =	vst v63  }
0xd: {  	_ = 	snop  }
0xe: {  	[tilespmem:s11], [sflag:$0x1] =	stream.strided.gather [hbm4b:s4+s9], $0x4000, s10, s9, $0x38;
	[tilespmem:$0x10200] =	vst v63  }
0xf: {  	_ = 	snop  }
0x10: {  	[tilespmem:s12], [sflag:$0x2] =	stream.strided.gather [hbm4b:s5+s9], $0x4000, s10, s9, $0x38;
	[tilespmem:$0x10200] =	vst v63  }
0x11: {  	_ = 	snop  }
0x12: {  	[tilespmem:s13], [sflag:$0x2] =	stream.strided.gather [hbm4b:s6+s9], $0x4000, s10, s9, $0x38;
	[tilespmem:$0x10200] =	vst v63  }
0x13: {  	_ =	swait.ge [sflag:s14], $0x4000  }
0x14: {  	[sflag:s14] =	ssyncset.done $0x0  }
0x15: {  	[sflag:s14] =	ssyncadd.s32 $0xFFFFC000  }
0x16: {  	_ =	swait.ge [sflag:s14], $0x4000  }
0x17: {  	s19 =	sand.u32 $0x70, s2;
	s20 =	sand.u32 $0x400, s2;
	[sflag:s14] =	ssyncset.done $0x0  }
0x18: {  	s21 =	sand.u32 $0xFFFFFC00, s2;
	s19 =	sor.u32 s19, s20;
	[sflag:s14] =	ssyncadd.s32 $0xFFFFC000  }
0x19: {  	s20 =	sadd.s32 $0x0, s21;
	v0 =	vld [tilespmem:s19+$0x4000]  }
0x1a: {  	s21 =	sor.u32 $0x80, s20;
	v1 =	vld [tilespmem:s19+$0x0]  }
0x1b: {  	v2 =	vld [tilespmem:s21+$0x0]  }
0x1c: {  	v3 =	vld [tilespmem:s21+$0x4000]  }
0x1d: {  	v4 =	vld [tilespmem:s19+$0x100]  }
0x1e: {  	s24 =	sor.u32 $0x180, s20;
	v5 =	vld [tilespmem:s19+$0x4100]  }
0x1f: {  	v48 =	vld [tilespmem:s24+$0x0];
	v0 =	vmul.f32 v0, v1  }
0x20: {  	v6 =	vld [tilespmem:s24+$0x4000]  }
0x21: {  	v49 =	vld [tilespmem:s19+$0x200];
	v2 =	vmul.f32 v3, v2;
	v0 =	vadd.f32 $0.0e+00, v0  }
0x22: {  	s25 =	sor.u32 $0x280, s20;
	v7 =	vld [tilespmem:s19+$0x4200]  }
0x23: {  	v51 =	vld [tilespmem:s25+$0x0];
	v50 =	vmul.f32 v5, v4;
	v0 =	vadd.f32 v2, v0  }
0x24: {  	v52 =	vld [tilespmem:s25+$0x4000]  }
0x25: {  	v53 =	vld [tilespmem:s19+$0x300];
	s21 =	sor.u32 s2, s2;
	v1 =	vmul.f32 v6, v48;
	v0 =	vadd.f32 v50, v0  }
0x26: {  	v54 =	vld [tilespmem:s19+$0x4300];
	s22 =	sor.u32 $0x380, s21  }
0x27: {  	v56 =	vld [tilespmem:s22+$0x0];
	v55 =	vmul.f32 v7, v49;
	v0 =	vadd.f32 v1, v0  }
0x28: {  	v57 =	vld [tilespmem:s22+$0x4000]  }
0x29: {  	v59 =	vld [tilespmem:s19+$0x800];
	v58 =	vmul.f32 v52, v51;
	v0 =	vadd.f32 v55, v0  }
0x2a: {  	s26 =	sor.u32 $0x880, s20;
	v60 =	vld [tilespmem:s19+$0x4800]  }
0x2b: {  	v62 =	vld [tilespmem:s26+$0x0];
	v61 =	vmul.f32 v54, v53;
	v0 =	vadd.f32 v58, v0  }
0x2c: {  	v63 =	vld [tilespmem:s26+$0x4000]  }
0x2d: {  	v10 =	vld [tilespmem:s19+$0x900];
	v9 =	vmul.f32 v57, v56;
	v0 =	vadd.f32 v61, v0  }
0x2e: {  	s28 =	sor.u32 $0x980, s20;
	v11 =	vld [tilespmem:s19+$0x4900]  }
0x2f: {  	v13 =	vld [tilespmem:s28+$0x0];
	v12 =	vmul.f32 v60, v59;
	v0 =	vadd.f32 v9, v0  }
0x30: {  	v14 =	vld [tilespmem:s28+$0x4000]  }
0x31: {  	v16 =	vld [tilespmem:s19+$0xA00];
	v15 =	vmul.f32 v63, v62;
	v0 =	vadd.f32 v12, v0  }
0x32: {  	s29 =	sor.u32 $0xA80, s20;
	v17 =	vld [tilespmem:s19+$0x4A00]  }
0x33: {  	v19 =	vld [tilespmem:s29+$0x0];
	v18 =	vmul.f32 v11, v10;
	v0 =	vadd.f32 v15, v0  }
0x34: {  	v20 =	vld [tilespmem:s29+$0x4000]  }
0x35: {  	v22 =	vld [tilespmem:s19+$0xB00];
	v21 =	vmul.f32 v14, v13;
	v0 =	vadd.f32 v18, v0  }
0x36: {  	v23 =	vld [tilespmem:s19+$0x4B00];
	s30 =	sor.u32 $0xB80, s21  }
0x37: {  	v25 =	vld [tilespmem:s30+$0x0];
	v24 =	vmul.f32 v17, v16;
	v0 =	vadd.f32 v21, v0  }
0x38: {  	v26 =	vld [tilespmem:s30+$0x4000]  }
0x39: {  	v28 =	vld [tilespmem:s19+$0x1000];
	v27 =	vmul.f32 v20, v19;
	v0 =	vadd.f32 v24, v0  }
0x3a: {  	s31 =	sor.u32 $0x1080, s20;
	v29 =	vld [tilespmem:s19+$0x5000]  }
0x3b: {  	v31 =	vld [tilespmem:s31+$0x0];
	v30 =	vmul.f32 v23, v22;
	v0 =	vadd.f32 v27, v0  }
0x3c: {  	v32 =	vld [tilespmem:s31+$0x4000]  }
0x3d: {  	v34 =	vld [tilespmem:s19+$0x1100];
	v33 =	vmul.f32 v26, v25;
	v0 =	vadd.f32 v30, v0  }
0x3e: {  	s23 =	sor.u32 $0x1180, s20;
	v35 =	vld [tilespmem:s19+$0x5100]  }
0x3f: {  	v37 =	vld [tilespmem:s23+$0x0];
	v36 =	vmul.f32 v29, v28;
	v0 =	vadd.f32 v33, v0  }
0x40: {  	v38 =	vld [tilespmem:s23+$0x4000]  }
0x41: {  	v40 =	vld [tilespmem:s19+$0x1200];
	v39 =	vmul.f32 v32, v31;
	v0 =	vadd.f32 v36, v0  }
0x42: {  	v41 =	vld [tilespmem:s19+$0x5200];
	s24 =	sor.u32 $0x1280, s20  }
0x43: {  	v43 =	vld [tilespmem:s24+$0x0];
	v42 =	vmul.f32 v35, v34;
	v0 =	vadd.f32 v39, v0  }
0x44: {  	v44 =	vld [tilespmem:s24+$0x4000]  }
0x45: {  	v46 =	vld [tilespmem:s19+$0x1300];
	v45 =	vmul.f32 v38, v37;
	v0 =	vadd.f32 v42, v0  }
0x46: {  	v47 =	vld [tilespmem:s19+$0x5300];
	s25 =	sor.u32 $0x1380, s21  }
0x47: {  	v48 =	vmul.f32 v41, v40;
	v49 =	vld [tilespmem:s25+$0x0];
	v0 =	vadd.f32 v45, v0  }
0x48: {  	v50 =	vld [tilespmem:s25+$0x4000]  }
0x49: {  	v52 =	vld [tilespmem:s19+$0x1800];
	v51 =	vmul.f32 v44, v43;
	v0 =	vadd.f32 v48, v0  }
0x4a: {  	s26 =	sor.u32 $0x1880, s20;
	v53 =	vld [tilespmem:s19+$0x5800]  }
0x4b: {  	v54 =	vmul.f32 v47, v46;
	v56 =	vld [tilespmem:s26+$0x4000];
	v0 =	vadd.f32 v51, v0  }
0x4c: {  	v55 =	vld [tilespmem:s26+$0x0]  }
0x4d: {  	v59 =	vld [tilespmem:s19+$0x5900];
	v57 =	vmul.f32 v50, v49;
	v0 =	vadd.f32 v54, v0  }
0x4e: {  	s28 =	sor.u32 $0x1980, s20;
	v58 =	vld [tilespmem:s19+$0x1900]  }
0x4f: {  	v62 =	vld [tilespmem:s28+$0x4000];
	v60 =	vmul.f32 v53, v52;
	v0 =	vadd.f32 v57, v0  }
0x50: {  	v61 =	vld [tilespmem:s28+$0x0]  }
0x51: {  	v10 =	vld [tilespmem:s19+$0x5A00];
	v63 =	vmul.f32 v56, v55;
	v0 =	vadd.f32 v60, v0  }
0x52: {  	s29 =	sor.u32 $0x1A80, s20;
	v9 =	vld [tilespmem:s19+$0x1A00]  }
0x53: {  	v13 =	vld [tilespmem:s29+$0x4000];
	v11 =	vmul.f32 v59, v58;
	v0 =	vadd.f32 v63, v0  }
0x54: {  	v12 =	vld [tilespmem:s29+$0x0]  }
0x55: {  	v16 =	vld [tilespmem:s19+$0x5B00];
	v14 =	vmul.f32 v62, v61;
	v0 =	vadd.f32 v11, v0  }
0x56: {  	s30 =	sor.u32 $0x1B80, s21;
	v15 =	vld [tilespmem:s19+$0x1B00]  }
0x57: {  	v19 =	vld [tilespmem:s30+$0x4000];
	v17 =	vmul.f32 v10, v9;
	v0 =	vadd.f32 v14, v0  }
0x58: {  	v18 =	vld [tilespmem:s30+$0x0]  }
0x59: {  	v22 =	vld [tilespmem:s19+$0x6000];
	v20 =	vmul.f32 v13, v12;
	v0 =	vadd.f32 v17, v0  }
0x5a: {  	s31 =	sor.u32 $0x2080, s20;
	v21 =	vld [tilespmem:s19+$0x2000]  }
0x5b: {  	v25 =	vld [tilespmem:s31+$0x4000];
	v23 =	vmul.f32 v16, v15;
	v0 =	vadd.f32 v20, v0  }
0x5c: {  	v24 =	vld [tilespmem:s31+$0x0]  }
0x5d: {  	v28 =	vld [tilespmem:s19+$0x6100];
	v26 =	vmul.f32 v19, v18;
	v0 =	vadd.f32 v23, v0  }
0x5e: {  	s23 =	sor.u32 $0x2180, s20;
	v27 =	vld [tilespmem:s19+$0x2100]  }
0x5f: {  	v31 =	vld [tilespmem:s23+$0x4000];
	v29 =	vmul.f32 v22, v21;
	v0 =	vadd.f32 v26, v0  }
0x60: {  	v30 =	vld [tilespmem:s23+$0x0]  }
0x61: {  	v34 =	vld [tilespmem:s19+$0x6200];
	v32 =	vmul.f32 v25, v24;
	v0 =	vadd.f32 v29, v0  }
0x62: {  	s24 =	sor.u32 $0x2280, s20;
	v33 =	vld [tilespmem:s19+$0x2200]  }
0x63: {  	v37 =	vld [tilespmem:s24+$0x4000];
	v35 =	vmul.f32 v28, v27;
	v0 =	vadd.f32 v32, v0  }
0x64: {  	v36 =	vld [tilespmem:s24+$0x0]  }
0x65: {  	v40 =	vld [tilespmem:s19+$0x6300];
	v38 =	vmul.f32 v31, v30;
	v0 =	vadd.f32 v35, v0  }
0x66: {  	s25 =	sor.u32 $0x2380, s21;
	v39 =	vld [tilespmem:s19+$0x2300]  }
0x67: {  	v43 =	vld [tilespmem:s25+$0x4000];
	v41 =	vmul.f32 v34, v33;
	v0 =	vadd.f32 v38, v0  }
0x68: {  	v42 =	vld [tilespmem:s25+$0x0]  }
0x69: {  	v46 =	vld [tilespmem:s19+$0x6800];
	v44 =	vmul.f32 v37, v36;
	v0 =	vadd.f32 v41, v0  }
0x6a: {  	s26 =	sor.u32 $0x2880, s20;
	v45 =	vld [tilespmem:s19+$0x2800]  }
0x6b: {  	v49 =	vld [tilespmem:s26+$0x4000];
	v47 =	vmul.f32 v40, v39;
	v0 =	vadd.f32 v44, v0  }
0x6c: {  	v48 =	vld [tilespmem:s26+$0x0]  }
0x6d: {  	v52 =	vld [tilespmem:s19+$0x6900];
	v50 =	vmul.f32 v43, v42;
	v0 =	vadd.f32 v47, v0  }
0x6e: {  	s28 =	sor.u32 $0x2980, s20;
	v51 =	vld [tilespmem:s19+$0x2900]  }
0x6f: {  	v55 =	vld [tilespmem:s28+$0x4000];
	v53 =	vmul.f32 v46, v45;
	v0 =	vadd.f32 v50, v0  }
0x70: {  	v54 =	vld [tilespmem:s28+$0x0]  }
0x71: {  	v58 =	vld [tilespmem:s19+$0x6A00];
	v56 =	vmul.f32 v49, v48;
	v0 =	vadd.f32 v53, v0  }
0x72: {  	s29 =	sor.u32 $0x2A80, s20;
	v57 =	vld [tilespmem:s19+$0x2A00]  }
0x73: {  	v61 =	vld [tilespmem:s29+$0x4000];
	v59 =	vmul.f32 v52, v51;
	v0 =	vadd.f32 v56, v0  }
0x74: {  	v60 =	vld [tilespmem:s29+$0x0]  }
0x75: {  	v9 =	vld [tilespmem:s19+$0x6B00];
	v62 =	vmul.f32 v55, v54;
	v0 =	vadd.f32 v59, v0  }
0x76: {  	s30 =	sor.u32 $0x2B80, s21;
	v63 =	vld [tilespmem:s19+$0x2B00]  }
0x77: {  	v12 =	vld [tilespmem:s30+$0x4000];
	v10 =	vmul.f32 v58, v57;
	v0 =	vadd.f32 v62, v0  }
0x78: {  	v11 =	vld [tilespmem:s30+$0x0]  }
0x79: {  	v15 =	vld [tilespmem:s19+$0x7000];
	v13 =	vmul.f32 v61, v60;
	v0 =	vadd.f32 v10, v0  }
0x7a: {  	s31 =	sor.u32 $0x3080, s20;
	v14 =	vld [tilespmem:s19+$0x3000]  }
0x7b: {  	v18 =	vld [tilespmem:s31+$0x4000];
	v16 =	vmul.f32 v9, v63;
	v0 =	vadd.f32 v13, v0  }
0x7c: {  	v17 =	vld [tilespmem:s31+$0x0]  }
0x7d: {  	v21 =	vld [tilespmem:s19+$0x7100];
	v19 =	vmul.f32 v12, v11;
	v0 =	vadd.f32 v16, v0  }
0x7e: {  	s23 =	sor.u32 $0x3180, s20;
	v20 =	vld [tilespmem:s19+$0x3100]  }
0x7f: {  	v24 =	vld [tilespmem:s23+$0x4000];
	v22 =	vmul.f32 v15, v14;
	v0 =	vadd.f32 v19, v0  }
0x80: {  	v23 =	vld [tilespmem:s23+$0x0]  }
0x81: {  	v27 =	vld [tilespmem:s19+$0x7200];
	v25 =	vmul.f32 v18, v17;
	v0 =	vadd.f32 v22, v0  }
0x82: {  	s24 =	sor.u32 $0x3280, s20;
	v26 =	vld [tilespmem:s19+$0x3200]  }
0x83: {  	v30 =	vld [tilespmem:s24+$0x4000];
	v28 =	vmul.f32 v21, v20;
	v0 =	vadd.f32 v25, v0  }
0x84: {  	v29 =	vld [tilespmem:s24+$0x0]  }
0x85: {  	v33 =	vld [tilespmem:s19+$0x7300];
	v31 =	vmul.f32 v24, v23;
	v0 =	vadd.f32 v28, v0  }
0x86: {  	s25 =	sor.u32 $0x3380, s21;
	v32 =	vld [tilespmem:s19+$0x3300]  }
0x87: {  	v36 =	vld [tilespmem:s25+$0x4000];
	v34 =	vmul.f32 v27, v26;
	v0 =	vadd.f32 v31, v0  }
0x88: {  	v35 =	vld [tilespmem:s25+$0x0]  }
0x89: {  	v39 =	vld [tilespmem:s19+$0x7800];
	v37 =	vmul.f32 v30, v29;
	v0 =	vadd.f32 v34, v0  }
0x8a: {  	s26 =	sor.u32 $0x3880, s20;
	v38 =	vld [tilespmem:s19+$0x3800]  }
0x8b: {  	v42 =	vld [tilespmem:s26+$0x4000];
	v40 =	vmul.f32 v33, v32;
	v0 =	vadd.f32 v37, v0  }
0x8c: {  	v41 =	vld [tilespmem:s26+$0x0]  }
0x8d: {  	v45 =	vld [tilespmem:s19+$0x7900];
	v43 =	vmul.f32 v36, v35;
	v0 =	vadd.f32 v40, v0  }
0x8e: {  	s28 =	sor.u32 $0x3980, s20;
	v44 =	vld [tilespmem:s19+$0x3900]  }
0x8f: {  	v48 =	vld [tilespmem:s28+$0x4000];
	v46 =	vmul.f32 v39, v38;
	v0 =	vadd.f32 v43, v0  }
0x90: {  	v47 =	vld [tilespmem:s28+$0x0]  }
0x91: {  	v51 =	vld [tilespmem:s19+$0x7A00];
	v49 =	vmul.f32 v42, v41;
	v0 =	vadd.f32 v46, v0  }
0x92: {  	s20 =	sor.u32 $0x3A80, s20;
	v50 =	vld [tilespmem:s19+$0x3A00]  }
0x93: {  	v54 =	vld [tilespmem:s20+$0x4000];
	v52 =	vmul.f32 v45, v44;
	v0 =	vadd.f32 v49, v0  }
0x94: {  	v53 =	vld [tilespmem:s20+$0x0]  }
0x95: {  	v57 =	vld [tilespmem:s19+$0x7B00];
	v55 =	vmul.f32 v48, v47;
	v0 =	vadd.f32 v52, v0  }
0x96: {  	s29 =	sor.u32 $0x3B80, s21;
	v56 =	vld [tilespmem:s19+$0x3B00]  }
0x97: {  	v60 =	vld [tilespmem:s29+$0x4000];
	v58 =	vmul.f32 v51, v50;
	v0 =	vadd.f32 v55, v0  }
0x98: {  	v59 =	vld [tilespmem:s29+$0x0]  }
0x99: {  	v61 =	vmul.f32 v54, v53;
	v0 =	vadd.f32 v58, v0;
	_ =	sdelay $0x1  }
0x9a: {  	v62 =	vmul.f32 v57, v56;
	v0 =	vadd.f32 v61, v0;
	_ =	sdelay $0x1  }
0x9b: {  	v63 =	vmul.f32 v60, v59;
	v0 =	vadd.f32 v62, v0;
	_ =	sdelay $0x1  }
0x9c: {  	s22 =	simm.s32 $0x80;
	s21 =	simm.s32 $0x10;
	v0 =	vadd.f32 v63, v0  }
0x9d: {  	s30 =	sand.u32 $0x70, s21;
	s31 =	sand.u32 $0x400, s22;
	s23 =	simm.s32 $0x20  }
0x9e: {  	s24 =	sand.u32 $0xFFFFFC00, s22;
	s20 =	sor.u32 s30, s31;
	s19 =	simm.s32 $0x10000;
	[tilespmem:s16+$0x0] =	vst v0  }
.LBB2_2:
0x9f: {  	p0 =	sne.s32 s23, $0xF0;
	v0 =	vld [tilespmem:s20+$0x4000];
	s24 =	sadd.s32 s24, s21  }
0xa0: {  	v1 =	vld [tilespmem:s20+$0x0];
	s25 =	sor.u32 $0x80, s24  }
0xa1: {  	v2 =	vld [tilespmem:s25+$0x0]  }
0xa2: {  	v3 =	vld [tilespmem:s25+$0x4000]  }
0xa3: {  	v4 =	vld [tilespmem:s20+$0x100]  }
0xa4: {  	s25 =	sor.u32 $0x180, s24;
	v5 =	vld [tilespmem:s20+$0x4100]  }
0xa5: {  	v0 =	vmul.f32 v0, v1;
	v1 =	vld [tilespmem:s25+$0x0]  }
0xa6: {  	v6 =	vld [tilespmem:s25+$0x4000]  }
0xa7: {  	v0 =	vadd.f32 $0.0e+00, v0;
	v2 =	vmul.f32 v3, v2;
	v3 =	vld [tilespmem:s20+$0x200]  }
0xa8: {  	s25 =	sor.u32 $0x280, s24;
	v7 =	vld [tilespmem:s20+$0x4200]  }
0xa9: {  	v0 =	vadd.f32 v2, v0;
	v2 =	vmul.f32 v5, v4;
	v4 =	vld [tilespmem:s25+$0x0]  }
0xaa: {  	v5 =	vld [tilespmem:s25+$0x4000]  }
0xab: {  	s25 =	sor.u32 s21, s22;
	s21 =	smov.u32 s23;
	v0 =	vadd.f32 v2, v0;
	v1 =	vmul.f32 v6, v1;
	v2 =	vld [tilespmem:s20+$0x300]  }
0xac: {  	s26 =	sor.u32 $0x380, s25;
	v6 =	vld [tilespmem:s20+$0x4300]  }
0xad: {  	v0 =	vadd.f32 v1, v0;
	v1 =	vmul.f32 v7, v3;
	v3 =	vld [tilespmem:s26+$0x0]  }
0xae: {  	v7 =	vld [tilespmem:s26+$0x4000]  }
0xaf: {  	v0 =	vadd.f32 v1, v0;
	v1 =	vmul.f32 v5, v4;
	v4 =	vld [tilespmem:s20+$0x800]  }
0xb0: {  	s26 =	sor.u32 $0x880, s24;
	v5 =	vld [tilespmem:s20+$0x4800]  }
0xb1: {  	v0 =	vadd.f32 v1, v0;
	v1 =	vmul.f32 v6, v2;
	v2 =	vld [tilespmem:s26+$0x0]  }
0xb2: {  	v6 =	vld [tilespmem:s26+$0x4000]  }
0xb3: {  	v0 =	vadd.f32 v1, v0;
	v1 =	vmul.f32 v7, v3;
	v3 =	vld [tilespmem:s20+$0x900]  }
0xb4: {  	s26 =	sor.u32 $0x980, s24;
	v7 =	vld [tilespmem:s20+$0x4900]  }
0xb5: {  	v0 =	vadd.f32 v1, v0;
	v1 =	vmul.f32 v5, v4;
	v4 =	vld [tilespmem:s26+$0x0]  }
0xb6: {  	v5 =	vld [tilespmem:s26+$0x4000]  }
0xb7: {  	v0 =	vadd.f32 v1, v0;
	v1 =	vmul.f32 v6, v2;
	v2 =	vld [tilespmem:s20+$0xA00]  }
0xb8: {  	s26 =	sor.u32 $0xA80, s24;
	v6 =	vld [tilespmem:s20+$0x4A00]  }
0xb9: {  	v0 =	vadd.f32 v1, v0;
	v1 =	vmul.f32 v7, v3;
	v3 =	vld [tilespmem:s26+$0x0]  }
0xba: {  	v7 =	vld [tilespmem:s26+$0x4000]  }
0xbb: {  	v0 =	vadd.f32 v1, v0;
	v1 =	vmul.f32 v5, v4;
	v4 =	vld [tilespmem:s20+$0xB00]  }
0xbc: {  	s26 =	sor.u32 $0xB80, s25;
	v5 =	vld [tilespmem:s20+$0x4B00]  }
0xbd: {  	v0 =	vadd.f32 v1, v0;
	v1 =	vmul.f32 v6, v2;
	v2 =	vld [tilespmem:s26+$0x0]  }
0xbe: {  	v6 =	vld [tilespmem:s26+$0x4000]  }
0xbf: {  	v0 =	vadd.f32 v1, v0;
	v1 =	vmul.f32 v7, v3;
	v3 =	vld [tilespmem:s20+$0x1000]  }
0xc0: {  	s26 =	sor.u32 $0x1080, s24;
	v7 =	vld [tilespmem:s20+$0x5000]  }
0xc1: {  	v0 =	vadd.f32 v1, v0;
	v1 =	vmul.f32 v5, v4;
	v4 =	vld [tilespmem:s26+$0x0]  }
0xc2: {  	v5 =	vld [tilespmem:s26+$0x4000]  }
0xc3: {  	v0 =	vadd.f32 v1, v0;
	v1 =	vmul.f32 v6, v2;
	v2 =	vld [tilespmem:s20+$0x1100]  }
0xc4: {  	s26 =	sor.u32 $0x1180, s24;
	v6 =	vld [tilespmem:s20+$0x5100]  }
0xc5: {  	v0 =	vadd.f32 v1, v0;
	v1 =	vmul.f32 v7, v3;
	v3 =	vld [tilespmem:s26+$0x0]  }
0xc6: {  	v7 =	vld [tilespmem:s26+$0x4000]  }
0xc7: {  	v0 =	vadd.f32 v1, v0;
	v1 =	vmul.f32 v5, v4;
	v4 =	vld [tilespmem:s20+$0x1200]  }
0xc8: {  	s26 =	sor.u32 $0x1280, s24;
	v5 =	vld [tilespmem:s20+$0x5200]  }
0xc9: {  	v0 =	vadd.f32 v1, v0;
	v1 =	vmul.f32 v6, v2;
	v2 =	vld [tilespmem:s26+$0x0]  }
0xca: {  	v6 =	vld [tilespmem:s26+$0x4000]  }
0xcb: {  	v0 =	vadd.f32 v1, v0;
	v1 =	vmul.f32 v7, v3;
	v3 =	vld [tilespmem:s20+$0x1300]  }
0xcc: {  	s26 =	sor.u32 $0x1380, s25;
	v7 =	vld [tilespmem:s20+$0x5300]  }
0xcd: {  	v0 =	vadd.f32 v1, v0;
	v1 =	vmul.f32 v5, v4;
	v4 =	vld [tilespmem:s26+$0x0]  }
0xce: {  	v5 =	vld [tilespmem:s26+$0x4000]  }
0xcf: {  	v0 =	vadd.f32 v1, v0;
	v1 =	vmul.f32 v6, v2;
	v2 =	vld [tilespmem:s20+$0x1800]  }
0xd0: {  	s26 =	sor.u32 $0x1880, s24;
	v6 =	vld [tilespmem:s20+$0x5800]  }
0xd1: {  	v0 =	vadd.f32 v1, v0;
	v1 =	vmul.f32 v7, v3;
	v3 =	vld [tilespmem:s26+$0x0]  }
0xd2: {  	v7 =	vld [tilespmem:s26+$0x4000]  }
0xd3: {  	v0 =	vadd.f32 v1, v0;
	v1 =	vmul.f32 v5, v4;
	v4 =	vld [tilespmem:s20+$0x1900]  }
0xd4: {  	s26 =	sor.u32 $0x1980, s24;
	v5 =	vld [tilespmem:s20+$0x5900]  }
0xd5: {  	v0 =	vadd.f32 v1, v0;
	v1 =	vmul.f32 v6, v2;
	v2 =	vld [tilespmem:s26+$0x0]  }
0xd6: {  	v6 =	vld [tilespmem:s26+$0x4000]  }
0xd7: {  	v0 =	vadd.f32 v1, v0;
	v1 =	vmul.f32 v7, v3;
	v3 =	vld [tilespmem:s20+$0x1A00]  }
0xd8: {  	s26 =	sor.u32 $0x1A80, s24;
	v7 =	vld [tilespmem:s20+$0x5A00]  }
0xd9: {  	v0 =	vadd.f32 v1, v0;
	v1 =	vmul.f32 v5, v4;
	v4 =	vld [tilespmem:s26+$0x0]  }
0xda: {  	v5 =	vld [tilespmem:s26+$0x4000]  }
0xdb: {  	v0 =	vadd.f32 v1, v0;
	v1 =	vmul.f32 v6, v2;
	v2 =	vld [tilespmem:s20+$0x1B00]  }
0xdc: {  	s26 =	sor.u32 $0x1B80, s25;
	v6 =	vld [tilespmem:s20+$0x5B00]  }
0xdd: {  	v0 =	vadd.f32 v1, v0;
	v1 =	vmul.f32 v7, v3;
	v3 =	vld [tilespmem:s26+$0x0]  }
0xde: {  	v7 =	vld [tilespmem:s26+$0x4000]  }
0xdf: {  	v0 =	vadd.f32 v1, v0;
	v1 =	vmul.f32 v5, v4;
	v4 =	vld [tilespmem:s20+$0x2000]  }
0xe0: {  	s26 =	sor.u32 $0x2080, s24;
	v5 =	vld [tilespmem:s20+$0x6000]  }
0xe1: {  	v0 =	vadd.f32 v1, v0;
	v1 =	vmul.f32 v6, v2;
	v2 =	vld [tilespmem:s26+$0x0]  }
0xe2: {  	v6 =	vld [tilespmem:s26+$0x4000]  }
0xe3: {  	v0 =	vadd.f32 v1, v0;
	v1 =	vmul.f32 v7, v3;
	v3 =	vld [tilespmem:s20+$0x2100]  }
0xe4: {  	s26 =	sor.u32 $0x2180, s24;
	v7 =	vld [tilespmem:s20+$0x6100]  }
0xe5: {  	v0 =	vadd.f32 v1, v0;
	v1 =	vmul.f32 v5, v4;
	v4 =	vld [tilespmem:s26+$0x0]  }
0xe6: {  	v5 =	vld [tilespmem:s26+$0x4000]  }
0xe7: {  	v0 =	vadd.f32 v1, v0;
	v1 =	vmul.f32 v6, v2;
	v2 =	vld [tilespmem:s20+$0x2200]  }
0xe8: {  	s26 =	sor.u32 $0x2280, s24;
	v6 =	vld [tilespmem:s20+$0x6200]  }
0xe9: {  	v0 =	vadd.f32 v1, v0;
	v1 =	vmul.f32 v7, v3;
	v3 =	vld [tilespmem:s26+$0x0]  }
0xea: {  	v7 =	vld [tilespmem:s26+$0x4000]  }
0xeb: {  	v0 =	vadd.f32 v1, v0;
	v1 =	vmul.f32 v5, v4;
	v4 =	vld [tilespmem:s20+$0x2300]  }
0xec: {  	s26 =	sor.u32 $0x2380, s25;
	v5 =	vld [tilespmem:s20+$0x6300]  }
0xed: {  	v0 =	vadd.f32 v1, v0;
	v1 =	vmul.f32 v6, v2;
	v2 =	vld [tilespmem:s26+$0x0]  }
0xee: {  	v6 =	vld [tilespmem:s26+$0x4000]  }
0xef: {  	v0 =	vadd.f32 v1, v0;
	v1 =	vmul.f32 v7, v3;
	v3 =	vld [tilespmem:s20+$0x2800]  }
0xf0: {  	s26 =	sor.u32 $0x2880, s24;
	v7 =	vld [tilespmem:s20+$0x6800]  }
0xf1: {  	v0 =	vadd.f32 v1, v0;
	v1 =	vmul.f32 v5, v4;
	v4 =	vld [tilespmem:s26+$0x0]  }
0xf2: {  	v5 =	vld [tilespmem:s26+$0x4000]  }
0xf3: {  	v0 =	vadd.f32 v1, v0;
	v1 =	vmul.f32 v6, v2;
	v2 =	vld [tilespmem:s20+$0x2900]  }
0xf4: {  	s26 =	sor.u32 $0x2980, s24;
	v6 =	vld [tilespmem:s20+$0x6900]  }
0xf5: {  	v0 =	vadd.f32 v1, v0;
	v1 =	vmul.f32 v7, v3;
	v3 =	vld [tilespmem:s26+$0x0]  }
0xf6: {  	v7 =	vld [tilespmem:s26+$0x4000]  }
0xf7: {  	v0 =	vadd.f32 v1, v0;
	v1 =	vmul.f32 v5, v4;
	v4 =	vld [tilespmem:s20+$0x2A00]  }
0xf8: {  	s26 =	sor.u32 $0x2A80, s24;
	v5 =	vld [tilespmem:s20+$0x6A00]  }
0xf9: {  	v0 =	vadd.f32 v1, v0;
	v1 =	vmul.f32 v6, v2;
	v2 =	vld [tilespmem:s26+$0x0]  }
0xfa: {  	v6 =	vld [tilespmem:s26+$0x4000]  }
0xfb: {  	v0 =	vadd.f32 v1, v0;
	v1 =	vmul.f32 v7, v3;
	v3 =	vld [tilespmem:s20+$0x2B00]  }
0xfc: {  	s26 =	sor.u32 $0x2B80, s25;
	v7 =	vld [tilespmem:s20+$0x6B00]  }
0xfd: {  	v0 =	vadd.f32 v1, v0;
	v1 =	vmul.f32 v5, v4;
	v4 =	vld [tilespmem:s26+$0x0]  }
0xfe: {  	v5 =	vld [tilespmem:s26+$0x4000]  }
0xff: {  	v0 =	vadd.f32 v1, v0;
	v1 =	vmul.f32 v6, v2;
	v2 =	vld [tilespmem:s20+$0x3000]  }
0x100: {  	s26 =	sor.u32 $0x3080, s24;
	v6 =	vld [tilespmem:s20+$0x7000]  }
0x101: {  	v0 =	vadd.f32 v1, v0;
	v1 =	vmul.f32 v7, v3;
	v3 =	vld [tilespmem:s26+$0x0]  }
0x102: {  	v7 =	vld [tilespmem:s26+$0x4000]  }
0x103: {  	v0 =	vadd.f32 v1, v0;
	v1 =	vmul.f32 v5, v4;
	v4 =	vld [tilespmem:s20+$0x3100]  }
0x104: {  	s26 =	sor.u32 $0x3180, s24;
	v5 =	vld [tilespmem:s20+$0x7100]  }
0x105: {  	v0 =	vadd.f32 v1, v0;
	v1 =	vmul.f32 v6, v2;
	v2 =	vld [tilespmem:s26+$0x0]  }
0x106: {  	v6 =	vld [tilespmem:s26+$0x4000]  }
0x107: {  	v0 =	vadd.f32 v1, v0;
	v1 =	vmul.f32 v7, v3;
	v3 =	vld [tilespmem:s20+$0x3200]  }
0x108: {  	s26 =	sor.u32 $0x3280, s24;
	v7 =	vld [tilespmem:s20+$0x7200]  }
0x109: {  	v0 =	vadd.f32 v1, v0;
	v1 =	vmul.f32 v5, v4;
	v4 =	vld [tilespmem:s26+$0x0]  }
0x10a: {  	v5 =	vld [tilespmem:s26+$0x4000]  }
0x10b: {  	v0 =	vadd.f32 v1, v0;
	v1 =	vmul.f32 v6, v2;
	v2 =	vld [tilespmem:s20+$0x3300]  }
0x10c: {  	s26 =	sor.u32 $0x3380, s25;
	v6 =	vld [tilespmem:s20+$0x7300]  }
0x10d: {  	v0 =	vadd.f32 v1, v0;
	v1 =	vmul.f32 v7, v3;
	v3 =	vld [tilespmem:s26+$0x0]  }
0x10e: {  	v7 =	vld [tilespmem:s26+$0x4000]  }
0x10f: {  	v0 =	vadd.f32 v1, v0;
	v1 =	vmul.f32 v5, v4;
	v4 =	vld [tilespmem:s20+$0x3800]  }
0x110: {  	s26 =	sor.u32 $0x3880, s24;
	v5 =	vld [tilespmem:s20+$0x7800]  }
0x111: {  	v0 =	vadd.f32 v1, v0;
	v1 =	vmul.f32 v6, v2;
	v2 =	vld [tilespmem:s26+$0x0]  }
0x112: {  	v6 =	vld [tilespmem:s26+$0x4000]  }
0x113: {  	v0 =	vadd.f32 v1, v0;
	v1 =	vmul.f32 v7, v3;
	v3 =	vld [tilespmem:s20+$0x3900]  }
0x114: {  	s26 =	sor.u32 $0x3980, s24;
	v7 =	vld [tilespmem:s20+$0x7900]  }
0x115: {  	v0 =	vadd.f32 v1, v0;
	v1 =	vmul.f32 v5, v4;
	v4 =	vld [tilespmem:s26+$0x0]  }
0x116: {  	v5 =	vld [tilespmem:s26+$0x4000]  }
0x117: {  	v0 =	vadd.f32 v1, v0;
	v1 =	vmul.f32 v6, v2;
	v2 =	vld [tilespmem:s20+$0x3A00]  }
0x118: {  	s24 =	sor.u32 $0x3A80, s24;
	v6 =	vld [tilespmem:s20+$0x7A00]  }
0x119: {  	v0 =	vadd.f32 v1, v0;
	v1 =	vmul.f32 v7, v3;
	v3 =	vld [tilespmem:s24+$0x0]  }
0x11a: {  	v7 =	vld [tilespmem:s24+$0x4000]  }
0x11b: {  	v0 =	vadd.f32 v1, v0;
	v1 =	vmul.f32 v5, v4;
	v4 =	vld [tilespmem:s20+$0x3B00]  }
0x11c: {  	v5 =	vld [tilespmem:s20+$0x7B00];
	s20 =	sor.u32 $0x3B80, s25  }
0x11d: {  	v0 =	vadd.f32 v1, v0;
	v1 =	vmul.f32 v6, v2;
	v2 =	vld [tilespmem:s20+$0x0]  }
0x11e: {  	v6 =	vld [tilespmem:s20+$0x4000]  }
0x11f: {  	v0 =	vadd.f32 v1, v0;
	v1 =	vmul.f32 v7, v3;
	_ =	sdelay $0x1  }
0x120: {  	v0 =	vadd.f32 v1, v0;
	v1 =	vmul.f32 v5, v4;
	_ =	sdelay $0x1  }
.Ltmp0:
0x121: {  	v0 =	vadd.f32 v1, v0;
	v1 =	vmul.f32 v6, v2;
	(pc) =	sbr.rel @p0 .LBB2_2-.Ltmp0, $4  }
0x122: {  	_ = 	snop  }
0x123: {  	s22 =	sadd.s32 $0x80, s22;
	v0 =	vadd.f32 v1, v0  }
0x124: {  	s19 =	sadd.s32 $0x10, s19;
	s25 =	sand.u32 $0x400, s22;
	s20 =	sand.u32 $0x70, s23  }
0x125: {  	s24 =	sand.u32 $0xFFFFFC00, s22;
	s23 =	sadd.s32 $0x10, s23;
	s20 =	sor.u32 s20, s25;
	[tilespmem:s19+$0x0] =	vst v0  }
0x126: {  	v0 =	vld [tilespmem:s20+$0x4000];
	s23 =	sadd.s32 s24, s21  }
0x127: {  	v1 =	vld [tilespmem:s20+$0x0];
	s24 =	sor.u32 $0x80, s23  }
0x128: {  	v2 =	vld [tilespmem:s24+$0x0]  }
0x129: {  	v3 =	vld [tilespmem:s24+$0x4000]  }
0x12a: {  	v4 =	vld [tilespmem:s20+$0x100]  }
0x12b: {  	v5 =	vld [tilespmem:s20+$0x4100];
	s28 =	sor.u32 $0x180, s23  }
0x12c: {  	v48 =	vld [tilespmem:s28+$0x0];
	v0 =	vmul.f32 v0, v1  }
0x12d: {  	v6 =	vld [tilespmem:s28+$0x4000]  }
0x12e: {  	v49 =	vld [tilespmem:s20+$0x200];
	v0 =	vadd.f32 $0.0e+00, v0;
	v2 =	vmul.f32 v3, v2  }
0x12f: {  	v7 =	vld [tilespmem:s20+$0x4200];
	s29 =	sor.u32 $0x280, s23  }
0x130: {  	v51 =	vld [tilespmem:s29+$0x0];
	v50 =	vmul.f32 v5, v4;
	v0 =	vadd.f32 v2, v0  }
0x131: {  	v52 =	vld [tilespmem:s29+$0x4000]  }
0x132: {  	v53 =	vld [tilespmem:s20+$0x300];
	s21 =	sor.u32 s21, s22;
	v1 =	vmul.f32 v6, v48;
	v0 =	vadd.f32 v50, v0  }
0x133: {  	v54 =	vld [tilespmem:s20+$0x4300];
	s22 =	sor.u32 $0x380, s21  }
0x134: {  	v56 =	vld [tilespmem:s22+$0x0];
	v55 =	vmul.f32 v7, v49;
	v0 =	vadd.f32 v1, v0  }
0x135: {  	v57 =	vld [tilespmem:s22+$0x4000]  }
0x136: {  	v59 =	vld [tilespmem:s20+$0x800];
	v58 =	vmul.f32 v52, v51;
	v0 =	vadd.f32 v55, v0  }
0x137: {  	v60 =	vld [tilespmem:s20+$0x4800];
	s30 =	sor.u32 $0x880, s23  }
0x138: {  	v62 =	vld [tilespmem:s30+$0x0];
	v61 =	vmul.f32 v54, v53;
	v0 =	vadd.f32 v58, v0  }
0x139: {  	v63 =	vld [tilespmem:s30+$0x4000]  }
0x13a: {  	v10 =	vld [tilespmem:s20+$0x900];
	v9 =	vmul.f32 v57, v56;
	v0 =	vadd.f32 v61, v0  }
0x13b: {  	v11 =	vld [tilespmem:s20+$0x4900];
	s31 =	sor.u32 $0x980, s23  }
0x13c: {  	v13 =	vld [tilespmem:s31+$0x0];
	v12 =	vmul.f32 v60, v59;
	v0 =	vadd.f32 v9, v0  }
0x13d: {  	v14 =	vld [tilespmem:s31+$0x4000]  }
0x13e: {  	v16 =	vld [tilespmem:s20+$0xA00];
	v15 =	vmul.f32 v63, v62;
	v0 =	vadd.f32 v12, v0  }
0x13f: {  	v17 =	vld [tilespmem:s20+$0x4A00];
	s24 =	sor.u32 $0xA80, s23  }
0x140: {  	v19 =	vld [tilespmem:s24+$0x0];
	v18 =	vmul.f32 v11, v10;
	v0 =	vadd.f32 v15, v0  }
0x141: {  	v20 =	vld [tilespmem:s24+$0x4000]  }
0x142: {  	v22 =	vld [tilespmem:s20+$0xB00];
	v21 =	vmul.f32 v14, v13;
	v0 =	vadd.f32 v18, v0  }
0x143: {  	v23 =	vld [tilespmem:s20+$0x4B00];
	s25 =	sor.u32 $0xB80, s21  }
0x144: {  	v25 =	vld [tilespmem:s25+$0x0];
	v24 =	vmul.f32 v17, v16;
	v0 =	vadd.f32 v21, v0  }
0x145: {  	v26 =	vld [tilespmem:s25+$0x4000]  }
0x146: {  	v28 =	vld [tilespmem:s20+$0x1000];
	v27 =	vmul.f32 v20, v19;
	v0 =	vadd.f32 v24, v0  }
0x147: {  	v29 =	vld [tilespmem:s20+$0x5000];
	s26 =	sor.u32 $0x1080, s23  }
0x148: {  	v31 =	vld [tilespmem:s26+$0x0];
	v30 =	vmul.f32 v23, v22;
	v0 =	vadd.f32 v27, v0  }
0x149: {  	v32 =	vld [tilespmem:s26+$0x4000]  }
0x14a: {  	v34 =	vld [tilespmem:s20+$0x1100];
	v33 =	vmul.f32 v26, v25;
	v0 =	vadd.f32 v30, v0  }
0x14b: {  	v35 =	vld [tilespmem:s20+$0x5100];
	s28 =	sor.u32 $0x1180, s23  }
0x14c: {  	v37 =	vld [tilespmem:s28+$0x0];
	v36 =	vmul.f32 v29, v28;
	v0 =	vadd.f32 v33, v0  }
0x14d: {  	v38 =	vld [tilespmem:s28+$0x4000]  }
0x14e: {  	v40 =	vld [tilespmem:s20+$0x1200];
	v39 =	vmul.f32 v32, v31;
	v0 =	vadd.f32 v36, v0  }
0x14f: {  	v41 =	vld [tilespmem:s20+$0x5200];
	s29 =	sor.u32 $0x1280, s23  }
0x150: {  	v43 =	vld [tilespmem:s29+$0x0];
	v42 =	vmul.f32 v35, v34;
	v0 =	vadd.f32 v39, v0  }
0x151: {  	v44 =	vld [tilespmem:s29+$0x4000]  }
0x152: {  	v46 =	vld [tilespmem:s20+$0x1300];
	v45 =	vmul.f32 v38, v37;
	v0 =	vadd.f32 v42, v0  }
0x153: {  	v47 =	vld [tilespmem:s20+$0x5300];
	s30 =	sor.u32 $0x1380, s21  }
0x154: {  	v49 =	vld [tilespmem:s30+$0x0];
	v48 =	vmul.f32 v41, v40;
	v0 =	vadd.f32 v45, v0  }
0x155: {  	v50 =	vld [tilespmem:s30+$0x4000]  }
0x156: {  	v53 =	vld [tilespmem:s20+$0x5800];
	v51 =	vmul.f32 v44, v43;
	v0 =	vadd.f32 v48, v0  }
0x157: {  	s31 =	sor.u32 $0x1880, s23;
	v52 =	vld [tilespmem:s20+$0x1800]  }
0x158: {  	v54 =	vmul.f32 v47, v46;
	v56 =	vld [tilespmem:s31+$0x4000];
	v0 =	vadd.f32 v51, v0  }
0x159: {  	v55 =	vld [tilespmem:s31+$0x0]  }
0x15a: {  	v59 =	vld [tilespmem:s20+$0x5900];
	v57 =	vmul.f32 v50, v49;
	v0 =	vadd.f32 v54, v0  }
0x15b: {  	s24 =	sor.u32 $0x1980, s23;
	v58 =	vld [tilespmem:s20+$0x1900]  }
0x15c: {  	v62 =	vld [tilespmem:s24+$0x4000];
	v60 =	vmul.f32 v53, v52;
	v0 =	vadd.f32 v57, v0  }
0x15d: {  	v61 =	vld [tilespmem:s24+$0x0]  }
0x15e: {  	v10 =	vld [tilespmem:s20+$0x5A00];
	v63 =	vmul.f32 v56, v55;
	v0 =	vadd.f32 v60, v0  }
0x15f: {  	s25 =	sor.u32 $0x1A80, s23;
	v9 =	vld [tilespmem:s20+$0x1A00]  }
0x160: {  	v13 =	vld [tilespmem:s25+$0x4000];
	v11 =	vmul.f32 v59, v58;
	v0 =	vadd.f32 v63, v0  }
0x161: {  	v12 =	vld [tilespmem:s25+$0x0]  }
0x162: {  	v16 =	vld [tilespmem:s20+$0x5B00];
	v14 =	vmul.f32 v62, v61;
	v0 =	vadd.f32 v11, v0  }
0x163: {  	s26 =	sor.u32 $0x1B80, s21;
	v15 =	vld [tilespmem:s20+$0x1B00]  }
0x164: {  	v19 =	vld [tilespmem:s26+$0x4000];
	v17 =	vmul.f32 v10, v9;
	v0 =	vadd.f32 v14, v0  }
0x165: {  	v18 =	vld [tilespmem:s26+$0x0]  }
0x166: {  	v22 =	vld [tilespmem:s20+$0x6000];
	v20 =	vmul.f32 v13, v12;
	v0 =	vadd.f32 v17, v0  }
0x167: {  	s28 =	sor.u32 $0x2080, s23;
	v21 =	vld [tilespmem:s20+$0x2000]  }
0x168: {  	v25 =	vld [tilespmem:s28+$0x4000];
	v23 =	vmul.f32 v16, v15;
	v0 =	vadd.f32 v20, v0  }
0x169: {  	v24 =	vld [tilespmem:s28+$0x0]  }
0x16a: {  	v28 =	vld [tilespmem:s20+$0x6100];
	v26 =	vmul.f32 v19, v18;
	v0 =	vadd.f32 v23, v0  }
0x16b: {  	s29 =	sor.u32 $0x2180, s23;
	v27 =	vld [tilespmem:s20+$0x2100]  }
0x16c: {  	v31 =	vld [tilespmem:s29+$0x4000];
	v29 =	vmul.f32 v22, v21;
	v0 =	vadd.f32 v26, v0  }
0x16d: {  	v30 =	vld [tilespmem:s29+$0x0]  }
0x16e: {  	v34 =	vld [tilespmem:s20+$0x6200];
	v32 =	vmul.f32 v25, v24;
	v0 =	vadd.f32 v29, v0  }
0x16f: {  	s30 =	sor.u32 $0x2280, s23;
	v33 =	vld [tilespmem:s20+$0x2200]  }
0x170: {  	v37 =	vld [tilespmem:s30+$0x4000];
	v35 =	vmul.f32 v28, v27;
	v0 =	vadd.f32 v32, v0  }
0x171: {  	v36 =	vld [tilespmem:s30+$0x0]  }
0x172: {  	v40 =	vld [tilespmem:s20+$0x6300];
	v38 =	vmul.f32 v31, v30;
	v0 =	vadd.f32 v35, v0  }
0x173: {  	s31 =	sor.u32 $0x2380, s21;
	v39 =	vld [tilespmem:s20+$0x2300]  }
0x174: {  	v43 =	vld [tilespmem:s31+$0x4000];
	v41 =	vmul.f32 v34, v33;
	v0 =	vadd.f32 v38, v0  }
0x175: {  	v42 =	vld [tilespmem:s31+$0x0]  }
0x176: {  	v46 =	vld [tilespmem:s20+$0x6800];
	v44 =	vmul.f32 v37, v36;
	v0 =	vadd.f32 v41, v0  }
0x177: {  	s24 =	sor.u32 $0x2880, s23;
	v45 =	vld [tilespmem:s20+$0x2800]  }
0x178: {  	v49 =	vld [tilespmem:s24+$0x4000];
	v47 =	vmul.f32 v40, v39;
	v0 =	vadd.f32 v44, v0  }
0x179: {  	v48 =	vld [tilespmem:s24+$0x0]  }
0x17a: {  	v52 =	vld [tilespmem:s20+$0x6900];
	v50 =	vmul.f32 v43, v42;
	v0 =	vadd.f32 v47, v0  }
0x17b: {  	s25 =	sor.u32 $0x2980, s23;
	v51 =	vld [tilespmem:s20+$0x2900]  }
0x17c: {  	v55 =	vld [tilespmem:s25+$0x4000];
	v53 =	vmul.f32 v46, v45;
	v0 =	vadd.f32 v50, v0  }
0x17d: {  	v54 =	vld [tilespmem:s25+$0x0]  }
0x17e: {  	v58 =	vld [tilespmem:s20+$0x6A00];
	v56 =	vmul.f32 v49, v48;
	v0 =	vadd.f32 v53, v0  }
0x17f: {  	s26 =	sor.u32 $0x2A80, s23;
	v57 =	vld [tilespmem:s20+$0x2A00]  }
0x180: {  	v61 =	vld [tilespmem:s26+$0x4000];
	v59 =	vmul.f32 v52, v51;
	v0 =	vadd.f32 v56, v0  }
0x181: {  	v60 =	vld [tilespmem:s26+$0x0]  }
0x182: {  	v9 =	vld [tilespmem:s20+$0x6B00];
	v62 =	vmul.f32 v55, v54;
	v0 =	vadd.f32 v59, v0  }
0x183: {  	s28 =	sor.u32 $0x2B80, s21;
	v63 =	vld [tilespmem:s20+$0x2B00]  }
0x184: {  	v12 =	vld [tilespmem:s28+$0x4000];
	v10 =	vmul.f32 v58, v57;
	v0 =	vadd.f32 v62, v0  }
0x185: {  	v11 =	vld [tilespmem:s28+$0x0]  }
0x186: {  	v15 =	vld [tilespmem:s20+$0x7000];
	v13 =	vmul.f32 v61, v60;
	v0 =	vadd.f32 v10, v0  }
0x187: {  	s29 =	sor.u32 $0x3080, s23;
	v14 =	vld [tilespmem:s20+$0x3000]  }
0x188: {  	v18 =	vld [tilespmem:s29+$0x4000];
	v16 =	vmul.f32 v9, v63;
	v0 =	vadd.f32 v13, v0  }
0x189: {  	v17 =	vld [tilespmem:s29+$0x0]  }
0x18a: {  	v21 =	vld [tilespmem:s20+$0x7100];
	v19 =	vmul.f32 v12, v11;
	v0 =	vadd.f32 v16, v0  }
0x18b: {  	s30 =	sor.u32 $0x3180, s23;
	v20 =	vld [tilespmem:s20+$0x3100]  }
0x18c: {  	v24 =	vld [tilespmem:s30+$0x4000];
	v22 =	vmul.f32 v15, v14;
	v0 =	vadd.f32 v19, v0  }
0x18d: {  	v23 =	vld [tilespmem:s30+$0x0]  }
0x18e: {  	v27 =	vld [tilespmem:s20+$0x7200];
	v25 =	vmul.f32 v18, v17;
	v0 =	vadd.f32 v22, v0  }
0x18f: {  	s31 =	sor.u32 $0x3280, s23;
	v26 =	vld [tilespmem:s20+$0x3200]  }
0x190: {  	v30 =	vld [tilespmem:s31+$0x4000];
	v28 =	vmul.f32 v21, v20;
	v0 =	vadd.f32 v25, v0  }
0x191: {  	v29 =	vld [tilespmem:s31+$0x0]  }
0x192: {  	v33 =	vld [tilespmem:s20+$0x7300];
	v31 =	vmul.f32 v24, v23;
	v0 =	vadd.f32 v28, v0  }
0x193: {  	s24 =	sor.u32 $0x3380, s21;
	v32 =	vld [tilespmem:s20+$0x3300]  }
0x194: {  	v36 =	vld [tilespmem:s24+$0x4000];
	v34 =	vmul.f32 v27, v26;
	v0 =	vadd.f32 v31, v0  }
0x195: {  	v35 =	vld [tilespmem:s24+$0x0]  }
0x196: {  	v39 =	vld [tilespmem:s20+$0x7800];
	v37 =	vmul.f32 v30, v29;
	v0 =	vadd.f32 v34, v0  }
0x197: {  	s25 =	sor.u32 $0x3880, s23;
	v38 =	vld [tilespmem:s20+$0x3800]  }
0x198: {  	v42 =	vld [tilespmem:s25+$0x4000];
	v40 =	vmul.f32 v33, v32;
	v0 =	vadd.f32 v37, v0  }
0x199: {  	v41 =	vld [tilespmem:s25+$0x0]  }
0x19a: {  	v45 =	vld [tilespmem:s20+$0x7900];
	v43 =	vmul.f32 v36, v35;
	v0 =	vadd.f32 v40, v0  }
0x19b: {  	s26 =	sor.u32 $0x3980, s23;
	v44 =	vld [tilespmem:s20+$0x3900]  }
0x19c: {  	v48 =	vld [tilespmem:s26+$0x4000];
	v46 =	vmul.f32 v39, v38;
	v0 =	vadd.f32 v43, v0  }
0x19d: {  	v47 =	vld [tilespmem:s26+$0x0]  }
0x19e: {  	v51 =	vld [tilespmem:s20+$0x7A00];
	v49 =	vmul.f32 v42, v41;
	v0 =	vadd.f32 v46, v0  }
0x19f: {  	s28 =	sor.u32 $0x3A80, s23;
	v50 =	vld [tilespmem:s20+$0x3A00]  }
0x1a0: {  	v54 =	vld [tilespmem:s28+$0x4000];
	v52 =	vmul.f32 v45, v44;
	v0 =	vadd.f32 v49, v0  }
0x1a1: {  	v53 =	vld [tilespmem:s28+$0x0]  }
0x1a2: {  	v57 =	vld [tilespmem:s20+$0x7B00];
	v55 =	vmul.f32 v48, v47;
	v0 =	vadd.f32 v52, v0  }
0x1a3: {  	s29 =	sor.u32 $0x3B80, s21;
	v56 =	vld [tilespmem:s20+$0x3B00]  }
0x1a4: {  	v60 =	vld [tilespmem:s29+$0x4000];
	v58 =	vmul.f32 v51, v50;
	v0 =	vadd.f32 v55, v0  }
0x1a5: {  	v59 =	vld [tilespmem:s29+$0x0]  }
0x1a6: {  	v61 =	vmul.f32 v54, v53;
	v0 =	vadd.f32 v58, v0;
	_ =	sdelay $0x1  }
0x1a7: {  	v62 =	vmul.f32 v57, v56;
	v0 =	vadd.f32 v61, v0;
	_ =	sdelay $0x1  }
0x1a8: {  	v63 =	vmul.f32 v60, v59;
	v0 =	vadd.f32 v62, v0;
	_ =	sdelay $0x1  }
0x1a9: {  	v0 =	vadd.f32 v63, v0  }
0x1aa: {  	s19 =	sadd.s32 $0x10, s19  }
0x1ab: {  	[tilespmem:s19+$0x0] =	vst v0  }
0x1ac: {  	_ =	swait.ge [sflag:s15], $0x4000  }
0x1ad: {  	[sflag:s15] =	ssyncset.done $0x0  }
0x1ae: {  	s22 =	simm.s32 $0x10;
	[sflag:s15] =	ssyncadd.s32 $0xFFFFC000  }
0x1af: {  	s21 =	simm.s32 $0x0;
	s19 =	simm.s32 $0x0;
	_ =	swait.ge [sflag:s15], $0x4000  }
0x1b0: {  	s30 =	sand.u32 $0x70, s19;
	s31 =	sand.u32 $0x400, s19;
	[sflag:s15] =	ssyncset.done $0x0  }
0x1b1: {  	s23 =	sand.u32 $0xFFFFFC00, s19;
	s20 =	sor.u32 s30, s31;
	[sflag:s15] =	ssyncadd.s32 $0xFFFFC000  }
.LBB2_4:
0x1b2: {  	p0 =	sne.s32 s22, $0xF0;
	v0 =	vld [tilespmem:s20+$0xC000];
	s24 =	sadd.s32 s23, s19;
	s23 =	smov.u32 s19  }
0x1b3: {  	s19 =	smov.u32 s22;
	v1 =	vld [tilespmem:s20+$0x8000];
	s25 =	sor.u32 $0x80, s24  }
0x1b4: {  	v2 =	vld [tilespmem:s25+$0x8000]  }
0x1b5: {  	v3 =	vld [tilespmem:s25+$0xC000]  }
0x1b6: {  	v4 =	vld [tilespmem:s20+$0x8100]  }
0x1b7: {  	s25 =	sor.u32 $0x180, s24;
	v5 =	vld [tilespmem:s20+$0xC100]  }
0x1b8: {  	v0 =	vmul.f32 v0, v1;
	v1 =	vld [tilespmem:s25+$0x8000]  }
0x1b9: {  	v6 =	vld [tilespmem:s25+$0xC000]  }
0x1ba: {  	v0 =	vadd.f32 $0.0e+00, v0;
	v2 =	vmul.f32 v3, v2;
	v3 =	vld [tilespmem:s20+$0x8200]  }
0x1bb: {  	s25 =	sor.u32 $0x280, s24;
	v7 =	vld [tilespmem:s20+$0xC200]  }
0x1bc: {  	v0 =	vadd.f32 v2, v0;
	v2 =	vmul.f32 v5, v4;
	v4 =	vld [tilespmem:s25+$0x8000]  }
0x1bd: {  	v5 =	vld [tilespmem:s25+$0xC000]  }
0x1be: {  	s25 =	sor.u32 s23, s21;
	v0 =	vadd.f32 v2, v0;
	v1 =	vmul.f32 v6, v1;
	v2 =	vld [tilespmem:s20+$0x8300]  }
0x1bf: {  	s26 =	sor.u32 $0x380, s25;
	v6 =	vld [tilespmem:s20+$0xC300]  }
0x1c0: {  	v0 =	vadd.f32 v1, v0;
	v1 =	vmul.f32 v7, v3;
	v3 =	vld [tilespmem:s26+$0x8000]  }
0x1c1: {  	v7 =	vld [tilespmem:s26+$0xC000]  }
0x1c2: {  	v0 =	vadd.f32 v1, v0;
	v1 =	vmul.f32 v5, v4;
	v4 =	vld [tilespmem:s20+$0x8800]  }
0x1c3: {  	s26 =	sor.u32 $0x880, s24;
	v5 =	vld [tilespmem:s20+$0xC800]  }
0x1c4: {  	v0 =	vadd.f32 v1, v0;
	v1 =	vmul.f32 v6, v2;
	v2 =	vld [tilespmem:s26+$0x8000]  }
0x1c5: {  	v6 =	vld [tilespmem:s26+$0xC000]  }
0x1c6: {  	v0 =	vadd.f32 v1, v0;
	v1 =	vmul.f32 v7, v3;
	v3 =	vld [tilespmem:s20+$0x8900]  }
0x1c7: {  	s26 =	sor.u32 $0x980, s24;
	v7 =	vld [tilespmem:s20+$0xC900]  }
0x1c8: {  	v0 =	vadd.f32 v1, v0;
	v1 =	vmul.f32 v5, v4;
	v4 =	vld [tilespmem:s26+$0x8000]  }
0x1c9: {  	v5 =	vld [tilespmem:s26+$0xC000]  }
0x1ca: {  	v0 =	vadd.f32 v1, v0;
	v1 =	vmul.f32 v6, v2;
	v2 =	vld [tilespmem:s20+$0x8A00]  }
0x1cb: {  	s26 =	sor.u32 $0xA80, s24;
	v6 =	vld [tilespmem:s20+$0xCA00]  }
0x1cc: {  	v0 =	vadd.f32 v1, v0;
	v1 =	vmul.f32 v7, v3;
	v3 =	vld [tilespmem:s26+$0x8000]  }
0x1cd: {  	v7 =	vld [tilespmem:s26+$0xC000]  }
0x1ce: {  	v0 =	vadd.f32 v1, v0;
	v1 =	vmul.f32 v5, v4;
	v4 =	vld [tilespmem:s20+$0x8B00]  }
0x1cf: {  	s26 =	sor.u32 $0xB80, s25;
	v5 =	vld [tilespmem:s20+$0xCB00]  }
0x1d0: {  	v0 =	vadd.f32 v1, v0;
	v1 =	vmul.f32 v6, v2;
	v2 =	vld [tilespmem:s26+$0x8000]  }
0x1d1: {  	v6 =	vld [tilespmem:s26+$0xC000]  }
0x1d2: {  	v0 =	vadd.f32 v1, v0;
	v1 =	vmul.f32 v7, v3;
	v3 =	vld [tilespmem:s20+$0x9000]  }
0x1d3: {  	s26 =	sor.u32 $0x1080, s24;
	v7 =	vld [tilespmem:s20+$0xD000]  }
0x1d4: {  	v0 =	vadd.f32 v1, v0;
	v1 =	vmul.f32 v5, v4;
	v4 =	vld [tilespmem:s26+$0x8000]  }
0x1d5: {  	v5 =	vld [tilespmem:s26+$0xC000]  }
0x1d6: {  	v0 =	vadd.f32 v1, v0;
	v1 =	vmul.f32 v6, v2;
	v2 =	vld [tilespmem:s20+$0x9100]  }
0x1d7: {  	s26 =	sor.u32 $0x1180, s24;
	v6 =	vld [tilespmem:s20+$0xD100]  }
0x1d8: {  	v0 =	vadd.f32 v1, v0;
	v1 =	vmul.f32 v7, v3;
	v3 =	vld [tilespmem:s26+$0x8000]  }
0x1d9: {  	v7 =	vld [tilespmem:s26+$0xC000]  }
0x1da: {  	v0 =	vadd.f32 v1, v0;
	v1 =	vmul.f32 v5, v4;
	v4 =	vld [tilespmem:s20+$0x9200]  }
0x1db: {  	s26 =	sor.u32 $0x1280, s24;
	v5 =	vld [tilespmem:s20+$0xD200]  }
0x1dc: {  	v0 =	vadd.f32 v1, v0;
	v1 =	vmul.f32 v6, v2;
	v2 =	vld [tilespmem:s26+$0x8000]  }
0x1dd: {  	v6 =	vld [tilespmem:s26+$0xC000]  }
0x1de: {  	v0 =	vadd.f32 v1, v0;
	v1 =	vmul.f32 v7, v3;
	v3 =	vld [tilespmem:s20+$0x9300]  }
0x1df: {  	s26 =	sor.u32 $0x1380, s25;
	v7 =	vld [tilespmem:s20+$0xD300]  }
0x1e0: {  	v0 =	vadd.f32 v1, v0;
	v1 =	vmul.f32 v5, v4;
	v4 =	vld [tilespmem:s26+$0x8000]  }
0x1e1: {  	v5 =	vld [tilespmem:s26+$0xC000]  }
0x1e2: {  	v0 =	vadd.f32 v1, v0;
	v1 =	vmul.f32 v6, v2;
	v2 =	vld [tilespmem:s20+$0x9800]  }
0x1e3: {  	s26 =	sor.u32 $0x1880, s24;
	v6 =	vld [tilespmem:s20+$0xD800]  }
0x1e4: {  	v0 =	vadd.f32 v1, v0;
	v1 =	vmul.f32 v7, v3;
	v3 =	vld [tilespmem:s26+$0x8000]  }
0x1e5: {  	v7 =	vld [tilespmem:s26+$0xC000]  }
0x1e6: {  	v0 =	vadd.f32 v1, v0;
	v1 =	vmul.f32 v5, v4;
	v4 =	vld [tilespmem:s20+$0x9900]  }
0x1e7: {  	s26 =	sor.u32 $0x1980, s24;
	v5 =	vld [tilespmem:s20+$0xD900]  }
0x1e8: {  	v0 =	vadd.f32 v1, v0;
	v1 =	vmul.f32 v6, v2;
	v2 =	vld [tilespmem:s26+$0x8000]  }
0x1e9: {  	v6 =	vld [tilespmem:s26+$0xC000]  }
0x1ea: {  	v0 =	vadd.f32 v1, v0;
	v1 =	vmul.f32 v7, v3;
	v3 =	vld [tilespmem:s20+$0x9A00]  }
0x1eb: {  	s26 =	sor.u32 $0x1A80, s24;
	v7 =	vld [tilespmem:s20+$0xDA00]  }
0x1ec: {  	v0 =	vadd.f32 v1, v0;
	v1 =	vmul.f32 v5, v4;
	v4 =	vld [tilespmem:s26+$0x8000]  }
0x1ed: {  	v5 =	vld [tilespmem:s26+$0xC000]  }
0x1ee: {  	v0 =	vadd.f32 v1, v0;
	v1 =	vmul.f32 v6, v2;
	v2 =	vld [tilespmem:s20+$0x9B00]  }
0x1ef: {  	s26 =	sor.u32 $0x1B80, s25;
	v6 =	vld [tilespmem:s20+$0xDB00]  }
0x1f0: {  	v0 =	vadd.f32 v1, v0;
	v1 =	vmul.f32 v7, v3;
	v3 =	vld [tilespmem:s26+$0x8000]  }
0x1f1: {  	v7 =	vld [tilespmem:s26+$0xC000]  }
0x1f2: {  	v0 =	vadd.f32 v1, v0;
	v1 =	vmul.f32 v5, v4;
	v4 =	vld [tilespmem:s20+$0xA000]  }
0x1f3: {  	s26 =	sor.u32 $0x2080, s24;
	v5 =	vld [tilespmem:s20+$0xE000]  }
0x1f4: {  	v0 =	vadd.f32 v1, v0;
	v1 =	vmul.f32 v6, v2;
	v2 =	vld [tilespmem:s26+$0x8000]  }
0x1f5: {  	v6 =	vld [tilespmem:s26+$0xC000]  }
0x1f6: {  	v0 =	vadd.f32 v1, v0;
	v1 =	vmul.f32 v7, v3;
	v3 =	vld [tilespmem:s20+$0xA100]  }
0x1f7: {  	s26 =	sor.u32 $0x2180, s24;
	v7 =	vld [tilespmem:s20+$0xE100]  }
0x1f8: {  	v0 =	vadd.f32 v1, v0;
	v1 =	vmul.f32 v5, v4;
	v4 =	vld [tilespmem:s26+$0x8000]  }
0x1f9: {  	v5 =	vld [tilespmem:s26+$0xC000]  }
0x1fa: {  	v0 =	vadd.f32 v1, v0;
	v1 =	vmul.f32 v6, v2;
	v2 =	vld [tilespmem:s20+$0xA200]  }
0x1fb: {  	s26 =	sor.u32 $0x2280, s24;
	v6 =	vld [tilespmem:s20+$0xE200]  }
0x1fc: {  	v0 =	vadd.f32 v1, v0;
	v1 =	vmul.f32 v7, v3;
	v3 =	vld [tilespmem:s26+$0x8000]  }
0x1fd: {  	v7 =	vld [tilespmem:s26+$0xC000]  }
0x1fe: {  	v0 =	vadd.f32 v1, v0;
	v1 =	vmul.f32 v5, v4;
	v4 =	vld [tilespmem:s20+$0xA300]  }
0x1ff: {  	s26 =	sor.u32 $0x2380, s25;
	v5 =	vld [tilespmem:s20+$0xE300]  }
0x200: {  	v0 =	vadd.f32 v1, v0;
	v1 =	vmul.f32 v6, v2;
	v2 =	vld [tilespmem:s26+$0x8000]  }
0x201: {  	v6 =	vld [tilespmem:s26+$0xC000]  }
0x202: {  	v0 =	vadd.f32 v1, v0;
	v1 =	vmul.f32 v7, v3;
	v3 =	vld [tilespmem:s20+$0xA800]  }
0x203: {  	s26 =	sor.u32 $0x2880, s24;
	v7 =	vld [tilespmem:s20+$0xE800]  }
0x204: {  	v0 =	vadd.f32 v1, v0;
	v1 =	vmul.f32 v5, v4;
	v4 =	vld [tilespmem:s26+$0x8000]  }
0x205: {  	v5 =	vld [tilespmem:s26+$0xC000]  }
0x206: {  	v0 =	vadd.f32 v1, v0;
	v1 =	vmul.f32 v6, v2;
	v2 =	vld [tilespmem:s20+$0xA900]  }
0x207: {  	s26 =	sor.u32 $0x2980, s24;
	v6 =	vld [tilespmem:s20+$0xE900]  }
0x208: {  	v0 =	vadd.f32 v1, v0;
	v1 =	vmul.f32 v7, v3;
	v3 =	vld [tilespmem:s26+$0x8000]  }
0x209: {  	v7 =	vld [tilespmem:s26+$0xC000]  }
0x20a: {  	v0 =	vadd.f32 v1, v0;
	v1 =	vmul.f32 v5, v4;
	v4 =	vld [tilespmem:s20+$0xAA00]  }
0x20b: {  	s26 =	sor.u32 $0x2A80, s24;
	v5 =	vld [tilespmem:s20+$0xEA00]  }
0x20c: {  	v0 =	vadd.f32 v1, v0;
	v1 =	vmul.f32 v6, v2;
	v2 =	vld [tilespmem:s26+$0x8000]  }
0x20d: {  	v6 =	vld [tilespmem:s26+$0xC000]  }
0x20e: {  	v0 =	vadd.f32 v1, v0;
	v1 =	vmul.f32 v7, v3;
	v3 =	vld [tilespmem:s20+$0xAB00]  }
0x20f: {  	s26 =	sor.u32 $0x2B80, s25;
	v7 =	vld [tilespmem:s20+$0xEB00]  }
0x210: {  	v0 =	vadd.f32 v1, v0;
	v1 =	vmul.f32 v5, v4;
	v4 =	vld [tilespmem:s26+$0x8000]  }
0x211: {  	v5 =	vld [tilespmem:s26+$0xC000]  }
0x212: {  	v0 =	vadd.f32 v1, v0;
	v1 =	vmul.f32 v6, v2;
	v2 =	vld [tilespmem:s20+$0xB000]  }
0x213: {  	s26 =	sor.u32 $0x3080, s24;
	v6 =	vld [tilespmem:s20+$0xF000]  }
0x214: {  	v0 =	vadd.f32 v1, v0;
	v1 =	vmul.f32 v7, v3;
	v3 =	vld [tilespmem:s26+$0x8000]  }
0x215: {  	v7 =	vld [tilespmem:s26+$0xC000]  }
0x216: {  	v0 =	vadd.f32 v1, v0;
	v1 =	vmul.f32 v5, v4;
	v4 =	vld [tilespmem:s20+$0xB100]  }
0x217: {  	s26 =	sor.u32 $0x3180, s24;
	v5 =	vld [tilespmem:s20+$0xF100]  }
0x218: {  	v0 =	vadd.f32 v1, v0;
	v1 =	vmul.f32 v6, v2;
	v2 =	vld [tilespmem:s26+$0x8000]  }
0x219: {  	v6 =	vld [tilespmem:s26+$0xC000]  }
0x21a: {  	v0 =	vadd.f32 v1, v0;
	v1 =	vmul.f32 v7, v3;
	v3 =	vld [tilespmem:s20+$0xB200]  }
0x21b: {  	s26 =	sor.u32 $0x3280, s24;
	v7 =	vld [tilespmem:s20+$0xF200]  }
0x21c: {  	v0 =	vadd.f32 v1, v0;
	v1 =	vmul.f32 v5, v4;
	v4 =	vld [tilespmem:s26+$0x8000]  }
0x21d: {  	v5 =	vld [tilespmem:s26+$0xC000]  }
0x21e: {  	v0 =	vadd.f32 v1, v0;
	v1 =	vmul.f32 v6, v2;
	v2 =	vld [tilespmem:s20+$0xB300]  }
0x21f: {  	s26 =	sor.u32 $0x3380, s25;
	v6 =	vld [tilespmem:s20+$0xF300]  }
0x220: {  	v0 =	vadd.f32 v1, v0;
	v1 =	vmul.f32 v7, v3;
	v3 =	vld [tilespmem:s26+$0x8000]  }
0x221: {  	v7 =	vld [tilespmem:s26+$0xC000]  }
0x222: {  	v0 =	vadd.f32 v1, v0;
	v1 =	vmul.f32 v5, v4;
	v4 =	vld [tilespmem:s20+$0xB800]  }
0x223: {  	s26 =	sor.u32 $0x3880, s24;
	v5 =	vld [tilespmem:s20+$0xF800]  }
0x224: {  	v0 =	vadd.f32 v1, v0;
	v1 =	vmul.f32 v6, v2;
	v2 =	vld [tilespmem:s26+$0x8000]  }
0x225: {  	v6 =	vld [tilespmem:s26+$0xC000]  }
0x226: {  	v0 =	vadd.f32 v1, v0;
	v1 =	vmul.f32 v7, v3;
	v3 =	vld [tilespmem:s20+$0xB900]  }
0x227: {  	s26 =	sor.u32 $0x3980, s24;
	v7 =	vld [tilespmem:s20+$0xF900]  }
0x228: {  	v0 =	vadd.f32 v1, v0;
	v1 =	vmul.f32 v5, v4;
	v4 =	vld [tilespmem:s26+$0x8000]  }
0x229: {  	v5 =	vld [tilespmem:s26+$0xC000]  }
0x22a: {  	v0 =	vadd.f32 v1, v0;
	v1 =	vmul.f32 v6, v2;
	v2 =	vld [tilespmem:s20+$0xBA00]  }
0x22b: {  	s24 =	sor.u32 $0x3A80, s24;
	v6 =	vld [tilespmem:s20+$0xFA00]  }
0x22c: {  	v0 =	vadd.f32 v1, v0;
	v1 =	vmul.f32 v7, v3;
	v3 =	vld [tilespmem:s24+$0x8000]  }
0x22d: {  	v7 =	vld [tilespmem:s24+$0xC000]  }
0x22e: {  	v0 =	vadd.f32 v1, v0;
	v1 =	vmul.f32 v5, v4;
	v4 =	vld [tilespmem:s20+$0xBB00]  }
0x22f: {  	v5 =	vld [tilespmem:s20+$0xFB00];
	s20 =	sor.u32 $0x3B80, s25  }
0x230: {  	v0 =	vadd.f32 v1, v0;
	v1 =	vmul.f32 v6, v2;
	v2 =	vld [tilespmem:s20+$0x8000]  }
0x231: {  	v6 =	vld [tilespmem:s20+$0xC000]  }
0x232: {  	v0 =	vadd.f32 v1, v0;
	v1 =	vmul.f32 v7, v3;
	_ =	sdelay $0x1  }
0x233: {  	v0 =	vadd.f32 v1, v0;
	v1 =	vmul.f32 v5, v4;
	_ =	sdelay $0x1  }
.Ltmp1:
0x234: {  	v0 =	vadd.f32 v1, v0;
	v1 =	vmul.f32 v6, v2;
	(pc) =	sbr.rel @p0 .LBB2_4-.Ltmp1, $4  }
0x235: {  	_ = 	snop  }
0x236: {  	s21 =	sadd.s32 $0x80, s21;
	v0 =	vadd.f32 v1, v0  }
0x237: {  	s24 =	sand.u32 $0x400, s21;
	s25 =	sand.u32 $0xF0, s23;
	s20 =	sand.u32 $0x70, s22  }
0x238: {  	s23 =	sand.u32 $0xFFFFFC00, s21;
	s22 =	sadd.s32 $0x10, s22;
	s20 =	sor.u32 s20, s24;
	[tilespmem:s25+$0x10100] =	vst v0  }
0x239: {  	v0 =	vld [tilespmem:s20+$0xC000];
	s22 =	sadd.s32 s23, s19  }
0x23a: {  	v1 =	vld [tilespmem:s20+$0x8000];
	s23 =	sor.u32 $0x80, s22  }
0x23b: {  	v2 =	vld [tilespmem:s23+$0x8000]  }
0x23c: {  	v3 =	vld [tilespmem:s23+$0xC000]  }
0x23d: {  	v4 =	vld [tilespmem:s20+$0x8100]  }
0x23e: {  	v5 =	vld [tilespmem:s20+$0xC100];
	s29 =	sor.u32 $0x180, s22  }
0x23f: {  	v48 =	vld [tilespmem:s29+$0x8000];
	v0 =	vmul.f32 v0, v1  }
0x240: {  	v6 =	vld [tilespmem:s29+$0xC000]  }
0x241: {  	v49 =	vld [tilespmem:s20+$0x8200];
	v0 =	vadd.f32 $0.0e+00, v0;
	v2 =	vmul.f32 v3, v2  }
0x242: {  	v7 =	vld [tilespmem:s20+$0xC200];
	s30 =	sor.u32 $0x280, s22  }
0x243: {  	v51 =	vld [tilespmem:s30+$0x8000];
	v50 =	vmul.f32 v5, v4;
	v0 =	vadd.f32 v2, v0  }
0x244: {  	v52 =	vld [tilespmem:s30+$0xC000]  }
0x245: {  	v53 =	vld [tilespmem:s20+$0x8300];
	s21 =	sor.u32 s19, s21;
	v1 =	vmul.f32 v6, v48;
	v0 =	vadd.f32 v50, v0  }
0x246: {  	v54 =	vld [tilespmem:s20+$0xC300];
	s31 =	sor.u32 $0x380, s21  }
0x247: {  	v56 =	vld [tilespmem:s31+$0x8000];
	v55 =	vmul.f32 v7, v49;
	v0 =	vadd.f32 v1, v0  }
0x248: {  	v57 =	vld [tilespmem:s31+$0xC000]  }
0x249: {  	v59 =	vld [tilespmem:s20+$0x8800];
	v58 =	vmul.f32 v52, v51;
	v0 =	vadd.f32 v55, v0  }
0x24a: {  	v60 =	vld [tilespmem:s20+$0xC800];
	s24 =	sor.u32 $0x880, s22  }
0x24b: {  	v62 =	vld [tilespmem:s24+$0x8000];
	v61 =	vmul.f32 v54, v53;
	v0 =	vadd.f32 v58, v0  }
0x24c: {  	v63 =	vld [tilespmem:s24+$0xC000]  }
0x24d: {  	v10 =	vld [tilespmem:s20+$0x8900];
	v9 =	vmul.f32 v57, v56;
	v0 =	vadd.f32 v61, v0  }
0x24e: {  	v11 =	vld [tilespmem:s20+$0xC900];
	s25 =	sor.u32 $0x980, s22  }
0x24f: {  	v13 =	vld [tilespmem:s25+$0x8000];
	v12 =	vmul.f32 v60, v59;
	v0 =	vadd.f32 v9, v0  }
0x250: {  	v14 =	vld [tilespmem:s25+$0xC000]  }
0x251: {  	v16 =	vld [tilespmem:s20+$0x8A00];
	v15 =	vmul.f32 v63, v62;
	v0 =	vadd.f32 v12, v0  }
0x252: {  	v17 =	vld [tilespmem:s20+$0xCA00];
	s26 =	sor.u32 $0xA80, s22  }
0x253: {  	v19 =	vld [tilespmem:s26+$0x8000];
	v18 =	vmul.f32 v11, v10;
	v0 =	vadd.f32 v15, v0  }
0x254: {  	v20 =	vld [tilespmem:s26+$0xC000]  }
0x255: {  	v22 =	vld [tilespmem:s20+$0x8B00];
	v21 =	vmul.f32 v14, v13;
	v0 =	vadd.f32 v18, v0  }
0x256: {  	v23 =	vld [tilespmem:s20+$0xCB00];
	s28 =	sor.u32 $0xB80, s21  }
0x257: {  	v25 =	vld [tilespmem:s28+$0x8000];
	v24 =	vmul.f32 v17, v16;
	v0 =	vadd.f32 v21, v0  }
0x258: {  	v26 =	vld [tilespmem:s28+$0xC000]  }
0x259: {  	v28 =	vld [tilespmem:s20+$0x9000];
	v27 =	vmul.f32 v20, v19;
	v0 =	vadd.f32 v24, v0  }
0x25a: {  	v29 =	vld [tilespmem:s20+$0xD000];
	s29 =	sor.u32 $0x1080, s22  }
0x25b: {  	v31 =	vld [tilespmem:s29+$0x8000];
	v30 =	vmul.f32 v23, v22;
	v0 =	vadd.f32 v27, v0  }
0x25c: {  	v32 =	vld [tilespmem:s29+$0xC000]  }
0x25d: {  	v34 =	vld [tilespmem:s20+$0x9100];
	v33 =	vmul.f32 v26, v25;
	v0 =	vadd.f32 v30, v0  }
0x25e: {  	v35 =	vld [tilespmem:s20+$0xD100];
	s30 =	sor.u32 $0x1180, s22  }
0x25f: {  	v37 =	vld [tilespmem:s30+$0x8000];
	v36 =	vmul.f32 v29, v28;
	v0 =	vadd.f32 v33, v0  }
0x260: {  	v38 =	vld [tilespmem:s30+$0xC000]  }
0x261: {  	v40 =	vld [tilespmem:s20+$0x9200];
	v39 =	vmul.f32 v32, v31;
	v0 =	vadd.f32 v36, v0  }
0x262: {  	v41 =	vld [tilespmem:s20+$0xD200];
	s31 =	sor.u32 $0x1280, s22  }
0x263: {  	v43 =	vld [tilespmem:s31+$0x8000];
	v42 =	vmul.f32 v35, v34;
	v0 =	vadd.f32 v39, v0  }
0x264: {  	v44 =	vld [tilespmem:s31+$0xC000]  }
0x265: {  	v46 =	vld [tilespmem:s20+$0x9300];
	v45 =	vmul.f32 v38, v37;
	v0 =	vadd.f32 v42, v0  }
0x266: {  	v47 =	vld [tilespmem:s20+$0xD300];
	s24 =	sor.u32 $0x1380, s21  }
0x267: {  	v49 =	vld [tilespmem:s24+$0x8000];
	v48 =	vmul.f32 v41, v40;
	v0 =	vadd.f32 v45, v0  }
0x268: {  	v50 =	vld [tilespmem:s24+$0xC000]  }
0x269: {  	v53 =	vld [tilespmem:s20+$0xD800];
	v51 =	vmul.f32 v44, v43;
	v0 =	vadd.f32 v48, v0  }
0x26a: {  	s25 =	sor.u32 $0x1880, s22;
	v52 =	vld [tilespmem:s20+$0x9800]  }
0x26b: {  	v54 =	vmul.f32 v47, v46;
	v56 =	vld [tilespmem:s25+$0xC000];
	v0 =	vadd.f32 v51, v0  }
0x26c: {  	v55 =	vld [tilespmem:s25+$0x8000]  }
0x26d: {  	v59 =	vld [tilespmem:s20+$0xD900];
	v57 =	vmul.f32 v50, v49;
	v0 =	vadd.f32 v54, v0  }
0x26e: {  	s26 =	sor.u32 $0x1980, s22;
	v58 =	vld [tilespmem:s20+$0x9900]  }
0x26f: {  	v62 =	vld [tilespmem:s26+$0xC000];
	v60 =	vmul.f32 v53, v52;
	v0 =	vadd.f32 v57, v0  }
0x270: {  	v61 =	vld [tilespmem:s26+$0x8000]  }
0x271: {  	v10 =	vld [tilespmem:s20+$0xDA00];
	v63 =	vmul.f32 v56, v55;
	v0 =	vadd.f32 v60, v0  }
0x272: {  	s28 =	sor.u32 $0x1A80, s22;
	v9 =	vld [tilespmem:s20+$0x9A00]  }
0x273: {  	v13 =	vld [tilespmem:s28+$0xC000];
	v11 =	vmul.f32 v59, v58;
	v0 =	vadd.f32 v63, v0  }
0x274: {  	v12 =	vld [tilespmem:s28+$0x8000]  }
0x275: {  	v16 =	vld [tilespmem:s20+$0xDB00];
	v14 =	vmul.f32 v62, v61;
	v0 =	vadd.f32 v11, v0  }
0x276: {  	s29 =	sor.u32 $0x1B80, s21;
	v15 =	vld [tilespmem:s20+$0x9B00]  }
0x277: {  	v19 =	vld [tilespmem:s29+$0xC000];
	v17 =	vmul.f32 v10, v9;
	v0 =	vadd.f32 v14, v0  }
0x278: {  	v18 =	vld [tilespmem:s29+$0x8000]  }
0x279: {  	v22 =	vld [tilespmem:s20+$0xE000];
	v20 =	vmul.f32 v13, v12;
	v0 =	vadd.f32 v17, v0  }
0x27a: {  	s30 =	sor.u32 $0x2080, s22;
	v21 =	vld [tilespmem:s20+$0xA000]  }
0x27b: {  	v25 =	vld [tilespmem:s30+$0xC000];
	v23 =	vmul.f32 v16, v15;
	v0 =	vadd.f32 v20, v0  }
0x27c: {  	v24 =	vld [tilespmem:s30+$0x8000]  }
0x27d: {  	v28 =	vld [tilespmem:s20+$0xE100];
	v26 =	vmul.f32 v19, v18;
	v0 =	vadd.f32 v23, v0  }
0x27e: {  	s31 =	sor.u32 $0x2180, s22;
	v27 =	vld [tilespmem:s20+$0xA100]  }
0x27f: {  	v31 =	vld [tilespmem:s31+$0xC000];
	v29 =	vmul.f32 v22, v21;
	v0 =	vadd.f32 v26, v0  }
0x280: {  	v30 =	vld [tilespmem:s31+$0x8000]  }
0x281: {  	v34 =	vld [tilespmem:s20+$0xE200];
	v32 =	vmul.f32 v25, v24;
	v0 =	vadd.f32 v29, v0  }
0x282: {  	s24 =	sor.u32 $0x2280, s22;
	v33 =	vld [tilespmem:s20+$0xA200]  }
0x283: {  	v37 =	vld [tilespmem:s24+$0xC000];
	v35 =	vmul.f32 v28, v27;
	v0 =	vadd.f32 v32, v0  }
0x284: {  	v36 =	vld [tilespmem:s24+$0x8000]  }
0x285: {  	v40 =	vld [tilespmem:s20+$0xE300];
	v38 =	vmul.f32 v31, v30;
	v0 =	vadd.f32 v35, v0  }
0x286: {  	s25 =	sor.u32 $0x2380, s21;
	v39 =	vld [tilespmem:s20+$0xA300]  }
0x287: {  	v43 =	vld [tilespmem:s25+$0xC000];
	v41 =	vmul.f32 v34, v33;
	v0 =	vadd.f32 v38, v0  }
0x288: {  	v42 =	vld [tilespmem:s25+$0x8000]  }
0x289: {  	v46 =	vld [tilespmem:s20+$0xE800];
	v44 =	vmul.f32 v37, v36;
	v0 =	vadd.f32 v41, v0  }
0x28a: {  	s26 =	sor.u32 $0x2880, s22;
	v45 =	vld [tilespmem:s20+$0xA800]  }
0x28b: {  	v49 =	vld [tilespmem:s26+$0xC000];
	v47 =	vmul.f32 v40, v39;
	v0 =	vadd.f32 v44, v0  }
0x28c: {  	v48 =	vld [tilespmem:s26+$0x8000]  }
0x28d: {  	v52 =	vld [tilespmem:s20+$0xE900];
	v50 =	vmul.f32 v43, v42;
	v0 =	vadd.f32 v47, v0  }
0x28e: {  	s28 =	sor.u32 $0x2980, s22;
	v51 =	vld [tilespmem:s20+$0xA900]  }
0x28f: {  	v55 =	vld [tilespmem:s28+$0xC000];
	v53 =	vmul.f32 v46, v45;
	v0 =	vadd.f32 v50, v0  }
0x290: {  	v54 =	vld [tilespmem:s28+$0x8000]  }
0x291: {  	v58 =	vld [tilespmem:s20+$0xEA00];
	v56 =	vmul.f32 v49, v48;
	v0 =	vadd.f32 v53, v0  }
0x292: {  	s29 =	sor.u32 $0x2A80, s22;
	v57 =	vld [tilespmem:s20+$0xAA00]  }
0x293: {  	v61 =	vld [tilespmem:s29+$0xC000];
	v59 =	vmul.f32 v52, v51;
	v0 =	vadd.f32 v56, v0  }
0x294: {  	v60 =	vld [tilespmem:s29+$0x8000]  }
0x295: {  	v9 =	vld [tilespmem:s20+$0xEB00];
	v62 =	vmul.f32 v55, v54;
	v0 =	vadd.f32 v59, v0  }
0x296: {  	s30 =	sor.u32 $0x2B80, s21;
	v63 =	vld [tilespmem:s20+$0xAB00]  }
0x297: {  	v12 =	vld [tilespmem:s30+$0xC000];
	v10 =	vmul.f32 v58, v57;
	v0 =	vadd.f32 v62, v0  }
0x298: {  	v11 =	vld [tilespmem:s30+$0x8000]  }
0x299: {  	v15 =	vld [tilespmem:s20+$0xF000];
	v13 =	vmul.f32 v61, v60;
	v0 =	vadd.f32 v10, v0  }
0x29a: {  	s31 =	sor.u32 $0x3080, s22;
	v14 =	vld [tilespmem:s20+$0xB000]  }
0x29b: {  	v18 =	vld [tilespmem:s31+$0xC000];
	v16 =	vmul.f32 v9, v63;
	v0 =	vadd.f32 v13, v0  }
0x29c: {  	v17 =	vld [tilespmem:s31+$0x8000]  }
0x29d: {  	v21 =	vld [tilespmem:s20+$0xF100];
	v19 =	vmul.f32 v12, v11;
	v0 =	vadd.f32 v16, v0  }
0x29e: {  	s24 =	sor.u32 $0x3180, s22;
	v20 =	vld [tilespmem:s20+$0xB100]  }
0x29f: {  	v24 =	vld [tilespmem:s24+$0xC000];
	v22 =	vmul.f32 v15, v14;
	v0 =	vadd.f32 v19, v0  }
0x2a0: {  	v23 =	vld [tilespmem:s24+$0x8000]  }
0x2a1: {  	v27 =	vld [tilespmem:s20+$0xF200];
	v25 =	vmul.f32 v18, v17;
	v0 =	vadd.f32 v22, v0  }
0x2a2: {  	s25 =	sor.u32 $0x3280, s22;
	v26 =	vld [tilespmem:s20+$0xB200]  }
0x2a3: {  	v30 =	vld [tilespmem:s25+$0xC000];
	v28 =	vmul.f32 v21, v20;
	v0 =	vadd.f32 v25, v0  }
0x2a4: {  	v29 =	vld [tilespmem:s25+$0x8000]  }
0x2a5: {  	v33 =	vld [tilespmem:s20+$0xF300];
	v31 =	vmul.f32 v24, v23;
	v0 =	vadd.f32 v28, v0  }
0x2a6: {  	s26 =	sor.u32 $0x3380, s21;
	v32 =	vld [tilespmem:s20+$0xB300]  }
0x2a7: {  	v36 =	vld [tilespmem:s26+$0xC000];
	v34 =	vmul.f32 v27, v26;
	v0 =	vadd.f32 v31, v0  }
0x2a8: {  	v35 =	vld [tilespmem:s26+$0x8000]  }
0x2a9: {  	v39 =	vld [tilespmem:s20+$0xF800];
	v37 =	vmul.f32 v30, v29;
	v0 =	vadd.f32 v34, v0  }
0x2aa: {  	s28 =	sor.u32 $0x3880, s22;
	v38 =	vld [tilespmem:s20+$0xB800]  }
0x2ab: {  	v42 =	vld [tilespmem:s28+$0xC000];
	v40 =	vmul.f32 v33, v32;
	v0 =	vadd.f32 v37, v0  }
0x2ac: {  	v41 =	vld [tilespmem:s28+$0x8000]  }
0x2ad: {  	v45 =	vld [tilespmem:s20+$0xF900];
	v43 =	vmul.f32 v36, v35;
	v0 =	vadd.f32 v40, v0  }
0x2ae: {  	s29 =	sor.u32 $0x3980, s22;
	v44 =	vld [tilespmem:s20+$0xB900]  }
0x2af: {  	v48 =	vld [tilespmem:s29+$0xC000];
	v46 =	vmul.f32 v39, v38;
	v0 =	vadd.f32 v43, v0  }
0x2b0: {  	v47 =	vld [tilespmem:s29+$0x8000]  }
0x2b1: {  	v51 =	vld [tilespmem:s20+$0xFA00];
	v49 =	vmul.f32 v42, v41;
	v0 =	vadd.f32 v46, v0  }
0x2b2: {  	s22 =	sor.u32 $0x3A80, s22;
	v50 =	vld [tilespmem:s20+$0xBA00]  }
0x2b3: {  	v54 =	vld [tilespmem:s22+$0xC000];
	v52 =	vmul.f32 v45, v44;
	v0 =	vadd.f32 v49, v0  }
0x2b4: {  	v53 =	vld [tilespmem:s22+$0x8000]  }
0x2b5: {  	v57 =	vld [tilespmem:s20+$0xFB00];
	v55 =	vmul.f32 v48, v47;
	v0 =	vadd.f32 v52, v0  }
0x2b6: {  	s30 =	sor.u32 $0x3B80, s21;
	v56 =	vld [tilespmem:s20+$0xBB00]  }
0x2b7: {  	v60 =	vld [tilespmem:s30+$0xC000];
	v58 =	vmul.f32 v51, v50;
	v0 =	vadd.f32 v55, v0  }
0x2b8: {  	v59 =	vld [tilespmem:s30+$0x8000]  }
0x2b9: {  	v61 =	vmul.f32 v54, v53;
	v0 =	vadd.f32 v58, v0;
	_ =	sdelay $0x1  }
0x2ba: {  	v62 =	vmul.f32 v57, v56;
	v0 =	vadd.f32 v61, v0;
	_ =	sdelay $0x1  }
0x2bb: {  	v63 =	vmul.f32 v60, v59;
	v0 =	vadd.f32 v62, v0;
	_ =	sdelay $0x1  }
0x2bc: {  	s18 =	sadd.s32 $0x1, s18;
	v0 =	vadd.f32 v63, v0  }
0x2bd: {  	p0 =	sne.s32 s18, s8;
	s31 =	sand.u32 $0xF0, s19  }
.Ltmp2:
0x2be: {  	[tilespmem:s31+$0x10100] =	vst v0;
	(pc) =	sbr.rel @p0 .LBB2_1-.Ltmp2, $4  }
0x2bf: {  	[hbm4b:s7+s2] =	stream.linear.scatter [tilespmem:s16], [sflag:$0x3], $0x200, $0x38;
	[tilespmem:$0x10200] =	vst v63  }
0x2c0: {  	_ =	swait.ge [sflag:s17], $0x200  }
0x2c1: {  	[sflag:s17] =	ssyncset.done $0x0  }
0x2c2: {  	[sflag:s17] =	ssyncadd.s32 $0xFFFFFE00  }
0x2c3: {  	_ =	sfence.sel $0x180000  }
0x2c4: {  	[bflag:$0x0] =	sbarrier.arrive $0xFFFF  }
0x2c5: {  	p0 =	sne.s32 s1, $0x0;
	_ =	strace $0x90000047  }
0x2c6: {  	s0 =	sadd.s32 @!p0 $0x100000, s0;
	[bflag:$0x2] =	sbarrier.arrive $0xFFFF  }
0x2c7: {  	[sflag:s0] =	ssyncadd.tile.s32 @!p0 $0x1;
	_ =	shalt  }
.Lfunc_end2:
_tile_overlayer_lowered:
.L_overlay_start_2:
0x2c8: {  	(tag) =	ssettag $0x2  }
0x2c9: {  	s0 =	rddreg [dreg:$0x0];
	s2 =	stileid.u32  }
0x2ca: {  	s1 =	rddreg [dreg:$0x1];
	p0 =	sne.s32 s2, $0x0  }
0x2cb: {  	s3 =	rddreg [dreg:$0x2];
	[bflag:$0x3] =	sbarrier.arrive $0xFFFF;
	s2 =	simm.s32 @!p0 $0x1C03  }
0x2cc: {  	[timem:s3], [sflag:s2] =	dma.local @!p0 [hbm:s0], s1  }
0x2cd: {  	s0 =	simm.s32 @!p0 $0x3  }
0x2ce: {  	_ =	swait.ge @!p0 [sflag:s0], s1  }
0x2cf: {  	s1 =	ssub.s32 @!p0 $0x0, s1;
	[sflag:s0] =	ssyncset.done @!p0 $0x0  }
0x2d0: {  	[sflag:s0] =	ssyncadd.s32 @!p0 s1  }
0x2d1: {  	[bflag:$0x3] =	sbarrier.arrive $0xFFFF  }
0x2d2: {  	_ =	shalt  }

</sc_bundles>
